<compile_context>
chip_gen: v7x
topology: tpu7x:2x2x1
jax: 0.10.2.dev20260603
libtpu: 0.0.44.dev20260713+nightly
codegen_flags: <defaults>
</compile_context>

<pallas_src>
import functools

import jax
import jax.numpy as jnp
from jax import lax
from jax.experimental import pallas as pl
from jax.experimental.pallas import tpu as pltpu
from jax.experimental.pallas import tpu_sc as plsc

N = 3_200_000
S = 100_000
NC = 2
NS = 16
NW = NC * NS
CHUNK = N // NW
SLICE = 6_272
T = NS * SLICE
WA = 4_000
WB = 2_000
H = SLICE // 4

_mesh = plsc.VectorSubcoreMesh(core_axis_name="c", subcore_axis_name="s")


@functools.partial(
    pl.kernel,
    out_type=jax.ShapeDtypeStruct((NC * T,), jnp.float32),
    mesh=_mesh,
    scratch_types=[
        pltpu.VMEM((WA,), jnp.int32),
        pltpu.VMEM((WA,), jnp.float32),
        pltpu.VMEM((SLICE,), jnp.float32),
        pltpu.VMEM_SHARED((T,), jnp.float32),
        pltpu.SemaphoreType.DMA,
        pltpu.SemaphoreType.DMA,
    ],
)
def _segsum_phase(sid_hbm, energy_hbm, out_hbm, sid_v, e_v, zb_v, tab_sh,
                  sem_a, sem_b):
    c = lax.axis_index("c")
    s = lax.axis_index("s")
    wid = c * NS + s

    def _zero(i, carry):
        zb_v[pl.ds(i * 16, 16)] = jnp.zeros((16,), jnp.float32)
        return carry

    lax.fori_loop(0, SLICE // 16, _zero, 0)
    pltpu.sync_copy(zb_v, tab_sh.at[pl.ds(s * SLICE, SLICE)])
    plsc.subcore_barrier()

    base = wid * CHUNK

    def _win(w, carry):
        off = base + w * WA
        d_sid = pltpu.async_copy(sid_hbm.at[pl.ds(off, WA)], sid_v, sem_a)
        d_e = pltpu.async_copy(energy_hbm.at[pl.ds(off, WA)], e_v, sem_b)
        d_sid.wait()
        d_e.wait()
        pltpu.sync_copy(e_v, tab_sh.at[sid_v], add=True)
        return carry

    lax.fori_loop(0, CHUNK // WA, _win, 0)
    plsc.subcore_barrier()

    pltpu.sync_copy(
        tab_sh.at[pl.ds(s * SLICE, SLICE)],
        out_hbm.at[pl.ds(c * T + s * SLICE, SLICE)],
    )


@functools.partial(
    pl.kernel,
    out_type=(
        jax.ShapeDtypeStruct((N,), jnp.float32),
        jax.ShapeDtypeStruct((N,), jnp.float32),
    ),
    mesh=_mesh,
    compiler_params=pltpu.CompilerParams(needs_layout_passes=False),
    scratch_types=[
        pltpu.VMEM((H,), jnp.float32),
        pltpu.VMEM((H,), jnp.float32),
        pltpu.VMEM((H,), jnp.int32),
        pltpu.VMEM((H,), jnp.float32),
        pltpu.VMEM((WB,), jnp.int32),
        pltpu.VMEM((WB,), jnp.float32),
        pltpu.VMEM((WB,), jnp.float32),
        pltpu.VMEM((T,), jnp.float32),
        pltpu.VMEM_SHARED((T,), jnp.float32),
        pltpu.VMEM_SHARED((T,), jnp.float32),
        pltpu.SemaphoreType.DMA,
        pltpu.SemaphoreType.DMA,
        pltpu.SemaphoreType.DMA,
    ],
)
def _gather_phase(part_hbm, pecf_hbm, alpha_hbm, sid_hbm, raw_hbm, cor_hbm,
                  va, vb, ai, vc, sw, ro, co, tab_v, tr_sh, tc_sh, sem,
                  sem_b, sem_c):
    c = lax.axis_index("c")
    s = lax.axis_index("s")
    r0 = s * SLICE

    for h in range(SLICE // H):
        rr = r0 + h * H
        d_a = pltpu.async_copy(part_hbm.at[pl.ds(rr, H)], va, sem)
        d_b = pltpu.async_copy(part_hbm.at[pl.ds(T + rr, H)], vb, sem_b)
        d_i = pltpu.async_copy(alpha_hbm.at[pl.ds(rr, H)], ai, sem_c)
        d_a.wait()
        d_b.wait()
        d_i.wait()
        pltpu.async_copy(pecf_hbm.at[ai], vc, sem).wait()

        def _comb(i, carry):
            sl = pl.ds(i * 16, 16)
            comb = va[sl] + vb[sl]
            va[sl] = comb
            vc[sl] = comb * vc[sl]
            return carry

        lax.fori_loop(0, H // 16, _comb, 0)
        pltpu.sync_copy(va, tr_sh.at[pl.ds(rr, H)])
        pltpu.sync_copy(vc, tc_sh.at[pl.ds(rr, H)])
    plsc.subcore_barrier()

    pltpu.sync_copy(tr_sh, tab_v)
    base = (c * NS + s) * CHUNK

    def _win(w, carry):
        off = base + w * WB
        pltpu.sync_copy(sid_hbm.at[pl.ds(off, WB)], sw)
        cor_copy = pltpu.async_copy(tc_sh.at[sw], co, sem)

        @plsc.parallel_loop(0, WB // 16, 1, unroll=8)
        def _g(i):
            sl = pl.ds(i * 16, 16)
            ro[sl] = plsc.load_gather(tab_v, [sw[sl]])

        cor_copy.wait()
        d_r = pltpu.async_copy(ro, raw_hbm.at[pl.ds(off, WB)], sem_b)
        d_c = pltpu.async_copy(co, cor_hbm.at[pl.ds(off, WB)], sem_c)
        d_r.wait()
        d_c.wait()
        return carry

    lax.fori_loop(0, CHUNK // WB, _win, 0)


@jax.jit
def kernel(pred_sid, pred_energy_corr_factor, recHitID, recHitEnergy,
           alpha_idx):
    del recHitID
    sid = pred_sid.reshape(N)
    energy = recHitEnergy.reshape(N)
    pecf = pred_energy_corr_factor.reshape(N)
    alpha_pad = jnp.pad(alpha_idx, (0, T - S))
    partials = _segsum_phase(sid, energy)
    raw, cor = _gather_phase(partials, pecf, alpha_pad, sid)
    return raw.reshape(N, 1), cor.reshape(N, 1)

# --- scband reference (transcript-rebuilt; emitter-appended) ---
"""Pipeline reference for scband-ocgather-energy-61237643706561 (READ-ONLY COPY).

The authoritative reference and input builder live on the scoring server;
editing this copy changes nothing except your own understanding.
"""

import jax, jax.numpy as jnp
import numpy as np

N = 3200000  # number of rechits
S = 100000   # number of showers; sid in [1, S], 0 reserved for noise
NUM_SEG = S + 1


def setup_inputs(seed: int = 0) -> dict:
    key = jax.random.key(seed)
    k1, k2, k3, k4 = jax.random.split(key, 4)
    pred_sid = jax.random.randint(k1, (N, 1), 0, S, dtype=jnp.int32)  # sid = pred_sid+1 in [1, S]
    pred_energy_corr_factor = jax.random.uniform(k2, (N, 1), dtype=jnp.float32)
    recHitID = jnp.zeros((N, 1), dtype=bool)  # is_track flag
    recHitEnergy = jax.random.uniform(k3, (N, 1), dtype=jnp.float32)
    alpha_idx = jax.random.randint(k4, (S,), 0, N, dtype=jnp.int32)  # one alpha (condensation) hit per shower
    return {
        'pred_sid': pred_sid,
        'pred_energy_corr_factor': pred_energy_corr_factor,
        'recHitID': recHitID,
        'recHitEnergy': recHitEnergy,
        'alpha_idx': alpha_idx,
    }


def reference(pred_sid, pred_energy_corr_factor, recHitID, recHitEnergy, alpha_idx):
    sid = pred_sid + 1                               # [N,1]
    is_track = recHitID                              # [N,1] bool
    predicted_noise = (sid == 0)                     # [N,1] bool
    corr_factor = jnp.where(
        jnp.logical_or(predicted_noise, is_track),
        jnp.zeros_like(pred_energy_corr_factor, dtype=jnp.float32),
        pred_energy_corr_factor.astype(jnp.float32),
    )                                                # [N,1]
    # tf.gather_nd(corr_factor, alpha_idx[:, None]) -> gather rows -> [S,1]
    alpha_corr_hit = corr_factor[alpha_idx]
    alpha_corr_with_noise_hit = jnp.concatenate(
        [jnp.zeros((1, 1), dtype=jnp.float32), alpha_corr_hit], axis=0
    )                                                # [S+1,1]
    # tf.math.unsorted_segment_sum with num_segments = max(sid)+1 == S+1 (static for jit)
    e_shower_hit = jax.ops.segment_sum(recHitEnergy[:, 0], sid[:, 0], num_segments=NUM_SEG)  # [S+1]
    e_hit_shower_corrected = e_shower_hit * alpha_corr_with_noise_hit[:, 0]                  # [S+1]
    e_hit_raw = jnp.take(e_shower_hit, sid[:, 0]).reshape(-1, 1)                             # [N,1]
    e_hit_cor = jnp.take(e_hit_shower_corrected, sid[:, 0]).reshape(-1, 1)                   # [N,1]
    return (e_hit_raw, e_hit_cor)

if __name__ == "__main__":
    import jax
    _d = setup_inputs()
    print(jax.jit(kernel)(*tuple(_d.values())))

</pallas_src>

<mosaic_0001>
#map = affine_map<(d0, d1) -> (0)>
module attributes {stable_mosaic.version = 14 : i64} {
  func.func @_segsum_phase(%arg0: i32, %arg1: i32, %arg2: memref<3200000xi32, #tpu.memory_space<hbm>>, %arg3: memref<3200000xf32, #tpu.memory_space<hbm>>, %arg4: memref<200704xf32, #tpu.memory_space<hbm>>, %arg5: memref<4000xi32, #tpu.memory_space<vmem>>, %arg6: memref<4000xf32, #tpu.memory_space<vmem>>, %arg7: memref<6272xf32, #tpu.memory_space<vmem>>, %arg8: memref<100352xf32, #tpu.memory_space<vmem_shared>>, %arg9: memref<!tpu.dma_semaphore, #tpu.memory_space<semaphore_mem>>, %arg10: memref<!tpu.dma_semaphore, #tpu.memory_space<semaphore_mem>>) attributes {dimension_semantics = [#tpu.dimension_semantics<core_parallel>, #tpu.dimension_semantics<subcore_parallel>], iteration_bounds = array<i64: 2, 16>, scalar_prefetch = 0 : i64, scratch_operands = 6 : i64, tpu.core_type = #tpu.core_type<sc_vector_subcore>, window_params = [{transform_indices = #map}, {transform_indices = #map}, {transform_indices = #map}]} {
    %mul3A = arith.constant 16 : i32
    %mul3A_0 = arith.muli %arg0, %mul3A : i32
    %add3A = arith.addi %mul3A_0, %arg1 : i32
    %scan3A = arith.constant 0 : i32
    %scan3A_1 = arith.constant 0 : i32
    %scan3A_2 = arith.constant 392 : i32
    %scan3A_3 = arith.addi %scan3A_1, %scan3A_2 : i32
    %scan3A_4 = arith.constant 1 : i32
    scf.for %scan3A_24 = %scan3A_1 to %scan3A_3 step %scan3A_4  : i32 {
      %broadcast_in_dim3A = arith.constant 0.000000e+00 : f32
      %broadcast_in_dim3A_25 = vector.broadcast %broadcast_in_dim3A : f32 to vector<16xf32>
      %mul3A_26 = arith.constant 16 : i32
      %mul3A_27 = arith.muli %scan3A_24, %mul3A_26 : i32
      %swap3A = arith.index_cast %mul3A_27 : i32 to index
      %swap3A_28 = tpu.vector_load %arg7[%swap3A] {strides = array<i32>} : memref<6272xf32, #tpu.memory_space<vmem>>, vector<16xf32>,
      %swap3A_29 = vector.shape_cast %swap3A_28 : vector<16xf32> to vector<16xf32>
      %swap3A_30 = vector.shape_cast %broadcast_in_dim3A_25 : vector<16xf32> to vector<16xf32>
      tpu.vector_store %arg7[%swap3A], %swap3A_30 {strides = array<i32>} : memref<6272xf32, #tpu.memory_space<vmem>>, vector<16xf32>,
    }
    %scan3A_5 = arith.constant 392 : i32
    %mul3A_6 = arith.constant 6272 : i32
    %mul3A_7 = arith.muli %arg1, %mul3A_6 : i32
    "tpu.region"() ({
      %run_scoped3A = tpu.sem_alloc : memref<!tpu.dma_semaphore, #tpu.memory_space<semaphore_mem>>
      %dma_start3A = tpu.memref_slice %arg8[%mul3A_7] : memref<100352xf32, #tpu.memory_space<vmem_shared>> -> memref<6272xf32, #tpu.memory_space<vmem_shared>>
      %dma_start3A_24 = tpu.memref_slice %arg8[%mul3A_7] : memref<100352xf32, #tpu.memory_space<vmem_shared>> -> memref<6272xf32, #tpu.memory_space<vmem_shared>>
      tpu.enqueue_dma source(%arg7 : memref<6272xf32, #tpu.memory_space<vmem>>) target(%dma_start3A_24 : memref<6272xf32, #tpu.memory_space<vmem_shared>>) target_semaphore(%run_scoped3A : memref<!tpu.dma_semaphore, #tpu.memory_space<semaphore_mem>>)
      %dma_wait3A = tpu.memref_slice %arg8[%mul3A_7] : memref<100352xf32, #tpu.memory_space<vmem_shared>> -> memref<6272xf32, #tpu.memory_space<vmem_shared>>
      %dma_wait3A_25 = tpu.memref_slice %arg8[%mul3A_7] : memref<100352xf32, #tpu.memory_space<vmem_shared>> -> memref<6272xf32, #tpu.memory_space<vmem_shared>>
      tpu.wait_dma2 semaphore(%run_scoped3A : memref<!tpu.dma_semaphore, #tpu.memory_space<semaphore_mem>>) src(%arg7 : memref<6272xf32, #tpu.memory_space<vmem>>) dst(%dma_wait3A_25 : memref<6272xf32, #tpu.memory_space<vmem_shared>>)
      tpu.yield
    }) : () -> ()
    %barrier3A = arith.constant 0 : index
    tpu.barrier barrier_id(%barrier3A)
    %mul3A_8 = arith.constant 100000 : i32
    %mul3A_9 = arith.muli %add3A, %mul3A_8 : i32
    %scan3A_10 = arith.constant 0 : i32
    %scan3A_11 = arith.constant 0 : i32
    %scan3A_12 = arith.constant 25 : i32
    %scan3A_13 = arith.addi %scan3A_11, %scan3A_12 : i32
    %scan3A_14 = arith.constant 1 : i32
    scf.for %scan3A_24 = %scan3A_11 to %scan3A_13 step %scan3A_14  : i32 {
      %mul3A_25 = arith.constant 4000 : i32
      %mul3A_26 = arith.muli %scan3A_24, %mul3A_25 : i32
      %add3A_27 = arith.addi %mul3A_9, %mul3A_26 : i32
      %dma_start3A = tpu.memref_slice %arg2[%add3A_27] : memref<3200000xi32, #tpu.memory_space<hbm>> -> memref<4000xi32, #tpu.memory_space<hbm>>
      %dma_start3A_28 = tpu.memref_slice %arg2[%add3A_27] : memref<3200000xi32, #tpu.memory_space<hbm>> -> memref<4000xi32, #tpu.memory_space<hbm>>
      tpu.enqueue_dma source(%dma_start3A_28 : memref<4000xi32, #tpu.memory_space<hbm>>) target(%arg5 : memref<4000xi32, #tpu.memory_space<vmem>>) target_semaphore(%arg9 : memref<!tpu.dma_semaphore, #tpu.memory_space<semaphore_mem>>)
      %dma_start3A_29 = tpu.memref_slice %arg3[%add3A_27] : memref<3200000xf32, #tpu.memory_space<hbm>> -> memref<4000xf32, #tpu.memory_space<hbm>>
      %dma_start3A_30 = tpu.memref_slice %arg3[%add3A_27] : memref<3200000xf32, #tpu.memory_space<hbm>> -> memref<4000xf32, #tpu.memory_space<hbm>>
      tpu.enqueue_dma source(%dma_start3A_30 : memref<4000xf32, #tpu.memory_space<hbm>>) target(%arg6 : memref<4000xf32, #tpu.memory_space<vmem>>) target_semaphore(%arg10 : memref<!tpu.dma_semaphore, #tpu.memory_space<semaphore_mem>>)
      %dma_wait3A = tpu.memref_slice %arg2[%add3A_27] : memref<3200000xi32, #tpu.memory_space<hbm>> -> memref<4000xi32, #tpu.memory_space<hbm>>
      %dma_wait3A_31 = tpu.memref_slice %arg2[%add3A_27] : memref<3200000xi32, #tpu.memory_space<hbm>> -> memref<4000xi32, #tpu.memory_space<hbm>>
      tpu.wait_dma2 semaphore(%arg9 : memref<!tpu.dma_semaphore, #tpu.memory_space<semaphore_mem>>) src(%dma_wait3A_31 : memref<4000xi32, #tpu.memory_space<hbm>>) dst(%arg5 : memref<4000xi32, #tpu.memory_space<vmem>>)
      %dma_wait3A_32 = tpu.memref_slice %arg3[%add3A_27] : memref<3200000xf32, #tpu.memory_space<hbm>> -> memref<4000xf32, #tpu.memory_space<hbm>>
      %dma_wait3A_33 = tpu.memref_slice %arg3[%add3A_27] : memref<3200000xf32, #tpu.memory_space<hbm>> -> memref<4000xf32, #tpu.memory_space<hbm>>
      tpu.wait_dma2 semaphore(%arg10 : memref<!tpu.dma_semaphore, #tpu.memory_space<semaphore_mem>>) src(%dma_wait3A_33 : memref<4000xf32, #tpu.memory_space<hbm>>) dst(%arg6 : memref<4000xf32, #tpu.memory_space<vmem>>)
      "tpu.region"() ({
        %run_scoped3A = tpu.sem_alloc : memref<!tpu.dma_semaphore, #tpu.memory_space<semaphore_mem>>
        %dma_start3A_34 = arith.constant 0 : i32
        %dma_start3A_35 = tpu.memref_slice %arg8[%dma_start3A_34] : memref<100352xf32, #tpu.memory_space<vmem_shared>> -> memref<100352xf32, #tpu.memory_space<vmem_shared>>
        tpu.enqueue_indirect_dma source(%arg6 : memref<4000xf32, #tpu.memory_space<vmem>>) target(%dma_start3A_35 : memref<100352xf32, #tpu.memory_space<vmem_shared>>) offsets(%arg5 : memref<4000xi32, #tpu.memory_space<vmem>>) semaphore(%run_scoped3A : memref<!tpu.dma_semaphore, #tpu.memory_space<semaphore_mem>>) {add = true}
        %dma_wait3A_36 = arith.constant 0 : i32
        %dma_wait3A_37 = tpu.memref_slice %arg8[%dma_wait3A_36] : memref<100352xf32, #tpu.memory_space<vmem_shared>> -> memref<100352xf32, #tpu.memory_space<vmem_shared>>
        tpu.wait_indirect_dma semaphore(%run_scoped3A : memref<!tpu.dma_semaphore, #tpu.memory_space<semaphore_mem>>) src(%arg6 : memref<4000xf32, #tpu.memory_space<vmem>>) dst(%dma_wait3A_37 : memref<100352xf32, #tpu.memory_space<vmem_shared>>)
        tpu.yield
      }) : () -> ()
    }
    %scan3A_15 = arith.constant 25 : i32
    %barrier3A_16 = arith.constant 0 : index
    tpu.barrier barrier_id(%barrier3A_16)
    %mul3A_17 = arith.constant 6272 : i32
    %mul3A_18 = arith.muli %arg1, %mul3A_17 : i32
    %mul3A_19 = arith.constant 100352 : i32
    %mul3A_20 = arith.muli %arg0, %mul3A_19 : i32
    %mul3A_21 = arith.constant 6272 : i32
    %mul3A_22 = arith.muli %arg1, %mul3A_21 : i32
    %add3A_23 = arith.addi %mul3A_20, %mul3A_22 : i32
    "tpu.region"() ({
      %run_scoped3A = tpu.sem_alloc : memref<!tpu.dma_semaphore, #tpu.memory_space<semaphore_mem>>
      %dma_start3A = tpu.memref_slice %arg4[%add3A_23] : memref<200704xf32, #tpu.memory_space<hbm>> -> memref<6272xf32, #tpu.memory_space<hbm>>
      %dma_start3A_24 = tpu.memref_slice %arg8[%mul3A_18] : memref<100352xf32, #tpu.memory_space<vmem_shared>> -> memref<6272xf32, #tpu.memory_space<vmem_shared>>
      tpu.enqueue_dma source(%dma_start3A_24 : memref<6272xf32, #tpu.memory_space<vmem_shared>>) target(%dma_start3A : memref<6272xf32, #tpu.memory_space<hbm>>) target_semaphore(%run_scoped3A : memref<!tpu.dma_semaphore, #tpu.memory_space<semaphore_mem>>)
      %dma_wait3A = tpu.memref_slice %arg4[%add3A_23] : memref<200704xf32, #tpu.memory_space<hbm>> -> memref<6272xf32, #tpu.memory_space<hbm>>
      %dma_wait3A_25 = tpu.memref_slice %arg8[%mul3A_18] : memref<100352xf32, #tpu.memory_space<vmem_shared>> -> memref<6272xf32, #tpu.memory_space<vmem_shared>>
      tpu.wait_dma2 semaphore(%run_scoped3A : memref<!tpu.dma_semaphore, #tpu.memory_space<semaphore_mem>>) src(%dma_wait3A_25 : memref<6272xf32, #tpu.memory_space<vmem_shared>>) dst(%dma_wait3A : memref<6272xf32, #tpu.memory_space<hbm>>)
      tpu.yield
    }) : () -> ()
    return
  }
}

#map = affine_map<(d0, d1) -> (0)>
module attributes {stable_mosaic.version = 14 : i64} {
  func.func @_gather_phase(%arg0: i32, %arg1: i32, %arg2: memref<200704xf32, #tpu.memory_space<hbm>>, %arg3: memref<3200000xf32, #tpu.memory_space<hbm>>, %arg4: memref<100352xi32, #tpu.memory_space<hbm>>, %arg5: memref<3200000xi32, #tpu.memory_space<hbm>>, %arg6: memref<3200000xf32, #tpu.memory_space<hbm>>, %arg7: memref<3200000xf32, #tpu.memory_space<hbm>>, %arg8: memref<1568xf32, #tpu.memory_space<vmem>>, %arg9: memref<1568xf32, #tpu.memory_space<vmem>>, %arg10: memref<1568xi32, #tpu.memory_space<vmem>>, %arg11: memref<1568xf32, #tpu.memory_space<vmem>>, %arg12: memref<2000xi32, #tpu.memory_space<vmem>>, %arg13: memref<2000xf32, #tpu.memory_space<vmem>>, %arg14: memref<2000xf32, #tpu.memory_space<vmem>>, %arg15: memref<100352xf32, #tpu.memory_space<vmem>>, %arg16: memref<100352xf32, #tpu.memory_space<vmem_shared>>, %arg17: memref<100352xf32, #tpu.memory_space<vmem_shared>>, %arg18: memref<!tpu.dma_semaphore, #tpu.memory_space<semaphore_mem>>, %arg19: memref<!tpu.dma_semaphore, #tpu.memory_space<semaphore_mem>>, %arg20: memref<!tpu.dma_semaphore, #tpu.memory_space<semaphore_mem>>) attributes {dimension_semantics = [#tpu.dimension_semantics<core_parallel>, #tpu.dimension_semantics<subcore_parallel>], iteration_bounds = array<i64: 2, 16>, scalar_prefetch = 0 : i64, scratch_operands = 13 : i64, tpu.core_type = #tpu.core_type<sc_vector_subcore>, window_params = [{transform_indices = #map}, {transform_indices = #map}, {transform_indices = #map}, {transform_indices = #map}, {transform_indices = #map}, {transform_indices = #map}]} {
    %mul3A = arith.constant 6272 : i32
    %mul3A_0 = arith.muli %arg1, %mul3A : i32
    %add3A = arith.constant 0 : i32
    %add3A_1 = arith.addi %mul3A_0, %add3A : i32
    %dma_start3A = tpu.memref_slice %arg2[%add3A_1] : memref<200704xf32, #tpu.memory_space<hbm>> -> memref<1568xf32, #tpu.memory_space<hbm>>
    %dma_start3A_2 = tpu.memref_slice %arg2[%add3A_1] : memref<200704xf32, #tpu.memory_space<hbm>> -> memref<1568xf32, #tpu.memory_space<hbm>>
    tpu.enqueue_dma source(%dma_start3A_2 : memref<1568xf32, #tpu.memory_space<hbm>>) target(%arg8 : memref<1568xf32, #tpu.memory_space<vmem>>) target_semaphore(%arg18 : memref<!tpu.dma_semaphore, #tpu.memory_space<semaphore_mem>>)
    %add3A_3 = arith.constant 100352 : i32
    %add3A_4 = arith.addi %add3A_3, %add3A_1 : i32
    %dma_start3A_5 = tpu.memref_slice %arg2[%add3A_4] : memref<200704xf32, #tpu.memory_space<hbm>> -> memref<1568xf32, #tpu.memory_space<hbm>>
    %dma_start3A_6 = tpu.memref_slice %arg2[%add3A_4] : memref<200704xf32, #tpu.memory_space<hbm>> -> memref<1568xf32, #tpu.memory_space<hbm>>
    tpu.enqueue_dma source(%dma_start3A_6 : memref<1568xf32, #tpu.memory_space<hbm>>) target(%arg9 : memref<1568xf32, #tpu.memory_space<vmem>>) target_semaphore(%arg19 : memref<!tpu.dma_semaphore, #tpu.memory_space<semaphore_mem>>)
    %dma_start3A_7 = tpu.memref_slice %arg4[%add3A_1] : memref<100352xi32, #tpu.memory_space<hbm>> -> memref<1568xi32, #tpu.memory_space<hbm>>
    %dma_start3A_8 = tpu.memref_slice %arg4[%add3A_1] : memref<100352xi32, #tpu.memory_space<hbm>> -> memref<1568xi32, #tpu.memory_space<hbm>>
    tpu.enqueue_dma source(%dma_start3A_8 : memref<1568xi32, #tpu.memory_space<hbm>>) target(%arg10 : memref<1568xi32, #tpu.memory_space<vmem>>) target_semaphore(%arg20 : memref<!tpu.dma_semaphore, #tpu.memory_space<semaphore_mem>>)
    %dma_wait3A = tpu.memref_slice %arg2[%add3A_1] : memref<200704xf32, #tpu.memory_space<hbm>> -> memref<1568xf32, #tpu.memory_space<hbm>>
    %dma_wait3A_9 = tpu.memref_slice %arg2[%add3A_1] : memref<200704xf32, #tpu.memory_space<hbm>> -> memref<1568xf32, #tpu.memory_space<hbm>>
    tpu.wait_dma2 semaphore(%arg18 : memref<!tpu.dma_semaphore, #tpu.memory_space<semaphore_mem>>) src(%dma_wait3A_9 : memref<1568xf32, #tpu.memory_space<hbm>>) dst(%arg8 : memref<1568xf32, #tpu.memory_space<vmem>>)
    %dma_wait3A_10 = tpu.memref_slice %arg2[%add3A_4] : memref<200704xf32, #tpu.memory_space<hbm>> -> memref<1568xf32, #tpu.memory_space<hbm>>
    %dma_wait3A_11 = tpu.memref_slice %arg2[%add3A_4] : memref<200704xf32, #tpu.memory_space<hbm>> -> memref<1568xf32, #tpu.memory_space<hbm>>
    tpu.wait_dma2 semaphore(%arg19 : memref<!tpu.dma_semaphore, #tpu.memory_space<semaphore_mem>>) src(%dma_wait3A_11 : memref<1568xf32, #tpu.memory_space<hbm>>) dst(%arg9 : memref<1568xf32, #tpu.memory_space<vmem>>)
    %dma_wait3A_12 = tpu.memref_slice %arg4[%add3A_1] : memref<100352xi32, #tpu.memory_space<hbm>> -> memref<1568xi32, #tpu.memory_space<hbm>>
    %dma_wait3A_13 = tpu.memref_slice %arg4[%add3A_1] : memref<100352xi32, #tpu.memory_space<hbm>> -> memref<1568xi32, #tpu.memory_space<hbm>>
    tpu.wait_dma2 semaphore(%arg20 : memref<!tpu.dma_semaphore, #tpu.memory_space<semaphore_mem>>) src(%dma_wait3A_13 : memref<1568xi32, #tpu.memory_space<hbm>>) dst(%arg10 : memref<1568xi32, #tpu.memory_space<vmem>>)
    %dma_start3A_14 = arith.constant 0 : i32
    %dma_start3A_15 = tpu.memref_slice %arg3[%dma_start3A_14] : memref<3200000xf32, #tpu.memory_space<hbm>> -> memref<3200000xf32, #tpu.memory_space<hbm>>
    tpu.enqueue_indirect_dma source(%dma_start3A_15 : memref<3200000xf32, #tpu.memory_space<hbm>>) target(%arg11 : memref<1568xf32, #tpu.memory_space<vmem>>) offsets(%arg10 : memref<1568xi32, #tpu.memory_space<vmem>>) semaphore(%arg18 : memref<!tpu.dma_semaphore, #tpu.memory_space<semaphore_mem>>)
    %dma_wait3A_16 = arith.constant 0 : i32
    %dma_wait3A_17 = tpu.memref_slice %arg3[%dma_wait3A_16] : memref<3200000xf32, #tpu.memory_space<hbm>> -> memref<3200000xf32, #tpu.memory_space<hbm>>
    tpu.wait_indirect_dma semaphore(%arg18 : memref<!tpu.dma_semaphore, #tpu.memory_space<semaphore_mem>>) src(%dma_wait3A_17 : memref<3200000xf32, #tpu.memory_space<hbm>>) dst(%arg11 : memref<1568xf32, #tpu.memory_space<vmem>>)
    %scan3A = arith.constant 0 : i32
    %scan3A_18 = arith.constant 0 : i32
    %scan3A_19 = arith.constant 98 : i32
    %scan3A_20 = arith.addi %scan3A_18, %scan3A_19 : i32
    %scan3A_21 = arith.constant 1 : i32
    scf.for %scan3A_112 = %scan3A_18 to %scan3A_20 step %scan3A_21  : i32 {
      %mul3A_113 = arith.constant 16 : i32
      %mul3A_114 = arith.muli %scan3A_112, %mul3A_113 : i32
      %get3A = arith.index_cast %mul3A_114 : i32 to index
      %get3A_115 = tpu.vector_load %arg8[%get3A] {strides = array<i32>} : memref<1568xf32, #tpu.memory_space<vmem>>, vector<16xf32>,
      %get3A_116 = arith.index_cast %mul3A_114 : i32 to index
      %get3A_117 = tpu.vector_load %arg9[%get3A_116] {strides = array<i32>} : memref<1568xf32, #tpu.memory_space<vmem>>, vector<16xf32>,
      %add3A_118 = arith.addf %get3A_115, %get3A_117 : vector<16xf32>
      %swap3A = arith.index_cast %mul3A_114 : i32 to index
      %swap3A_119 = tpu.vector_load %arg8[%swap3A] {strides = array<i32>} : memref<1568xf32, #tpu.memory_space<vmem>>, vector<16xf32>,
      tpu.vector_store %arg8[%swap3A], %add3A_118 {strides = array<i32>} : memref<1568xf32, #tpu.memory_space<vmem>>, vector<16xf32>,
      %get3A_120 = arith.index_cast %mul3A_114 : i32 to index
      %get3A_121 = tpu.vector_load %arg11[%get3A_120] {strides = array<i32>} : memref<1568xf32, #tpu.memory_space<vmem>>, vector<16xf32>,
      %mul3A_122 = arith.mulf %add3A_118, %get3A_121 : vector<16xf32>
      %swap3A_123 = arith.index_cast %mul3A_114 : i32 to index
      %swap3A_124 = tpu.vector_load %arg11[%swap3A_123] {strides = array<i32>} : memref<1568xf32, #tpu.memory_space<vmem>>, vector<16xf32>,
      tpu.vector_store %arg11[%swap3A_123], %mul3A_122 {strides = array<i32>} : memref<1568xf32, #tpu.memory_space<vmem>>, vector<16xf32>,
    }
    %scan3A_22 = arith.constant 98 : i32
    "tpu.region"() ({
      %run_scoped3A = tpu.sem_alloc : memref<!tpu.dma_semaphore, #tpu.memory_space<semaphore_mem>>
      %dma_start3A_112 = tpu.memref_slice %arg16[%add3A_1] : memref<100352xf32, #tpu.memory_space<vmem_shared>> -> memref<1568xf32, #tpu.memory_space<vmem_shared>>
      %dma_start3A_113 = tpu.memref_slice %arg16[%add3A_1] : memref<100352xf32, #tpu.memory_space<vmem_shared>> -> memref<1568xf32, #tpu.memory_space<vmem_shared>>
      tpu.enqueue_dma source(%arg8 : memref<1568xf32, #tpu.memory_space<vmem>>) target(%dma_start3A_113 : memref<1568xf32, #tpu.memory_space<vmem_shared>>) target_semaphore(%run_scoped3A : memref<!tpu.dma_semaphore, #tpu.memory_space<semaphore_mem>>)
      %dma_wait3A_114 = tpu.memref_slice %arg16[%add3A_1] : memref<100352xf32, #tpu.memory_space<vmem_shared>> -> memref<1568xf32, #tpu.memory_space<vmem_shared>>
      %dma_wait3A_115 = tpu.memref_slice %arg16[%add3A_1] : memref<100352xf32, #tpu.memory_space<vmem_shared>> -> memref<1568xf32, #tpu.memory_space<vmem_shared>>
      tpu.wait_dma2 semaphore(%run_scoped3A : memref<!tpu.dma_semaphore, #tpu.memory_space<semaphore_mem>>) src(%arg8 : memref<1568xf32, #tpu.memory_space<vmem>>) dst(%dma_wait3A_115 : memref<1568xf32, #tpu.memory_space<vmem_shared>>)
      tpu.yield
    }) : () -> ()
    "tpu.region"() ({
      %run_scoped3A = tpu.sem_alloc : memref<!tpu.dma_semaphore, #tpu.memory_space<semaphore_mem>>
      %dma_start3A_112 = tpu.memref_slice %arg17[%add3A_1] : memref<100352xf32, #tpu.memory_space<vmem_shared>> -> memref<1568xf32, #tpu.memory_space<vmem_shared>>
      %dma_start3A_113 = tpu.memref_slice %arg17[%add3A_1] : memref<100352xf32, #tpu.memory_space<vmem_shared>> -> memref<1568xf32, #tpu.memory_space<vmem_shared>>
      tpu.enqueue_dma source(%arg11 : memref<1568xf32, #tpu.memory_space<vmem>>) target(%dma_start3A_113 : memref<1568xf32, #tpu.memory_space<vmem_shared>>) target_semaphore(%run_scoped3A : memref<!tpu.dma_semaphore, #tpu.memory_space<semaphore_mem>>)
      %dma_wait3A_114 = tpu.memref_slice %arg17[%add3A_1] : memref<100352xf32, #tpu.memory_space<vmem_shared>> -> memref<1568xf32, #tpu.memory_space<vmem_shared>>
      %dma_wait3A_115 = tpu.memref_slice %arg17[%add3A_1] : memref<100352xf32, #tpu.memory_space<vmem_shared>> -> memref<1568xf32, #tpu.memory_space<vmem_shared>>
      tpu.wait_dma2 semaphore(%run_scoped3A : memref<!tpu.dma_semaphore, #tpu.memory_space<semaphore_mem>>) src(%arg11 : memref<1568xf32, #tpu.memory_space<vmem>>) dst(%dma_wait3A_115 : memref<1568xf32, #tpu.memory_space<vmem_shared>>)
      tpu.yield
    }) : () -> ()
    %add3A_23 = arith.constant 1568 : i32
    %add3A_24 = arith.addi %mul3A_0, %add3A_23 : i32
    %dma_start3A_25 = tpu.memref_slice %arg2[%add3A_24] : memref<200704xf32, #tpu.memory_space<hbm>> -> memref<1568xf32, #tpu.memory_space<hbm>>
    %dma_start3A_26 = tpu.memref_slice %arg2[%add3A_24] : memref<200704xf32, #tpu.memory_space<hbm>> -> memref<1568xf32, #tpu.memory_space<hbm>>
    tpu.enqueue_dma source(%dma_start3A_26 : memref<1568xf32, #tpu.memory_space<hbm>>) target(%arg8 : memref<1568xf32, #tpu.memory_space<vmem>>) target_semaphore(%arg18 : memref<!tpu.dma_semaphore, #tpu.memory_space<semaphore_mem>>)
    %add3A_27 = arith.constant 100352 : i32
    %add3A_28 = arith.addi %add3A_27, %add3A_24 : i32
    %dma_start3A_29 = tpu.memref_slice %arg2[%add3A_28] : memref<200704xf32, #tpu.memory_space<hbm>> -> memref<1568xf32, #tpu.memory_space<hbm>>
    %dma_start3A_30 = tpu.memref_slice %arg2[%add3A_28] : memref<200704xf32, #tpu.memory_space<hbm>> -> memref<1568xf32, #tpu.memory_space<hbm>>
    tpu.enqueue_dma source(%dma_start3A_30 : memref<1568xf32, #tpu.memory_space<hbm>>) target(%arg9 : memref<1568xf32, #tpu.memory_space<vmem>>) target_semaphore(%arg19 : memref<!tpu.dma_semaphore, #tpu.memory_space<semaphore_mem>>)
    %dma_start3A_31 = tpu.memref_slice %arg4[%add3A_24] : memref<100352xi32, #tpu.memory_space<hbm>> -> memref<1568xi32, #tpu.memory_space<hbm>>
    %dma_start3A_32 = tpu.memref_slice %arg4[%add3A_24] : memref<100352xi32, #tpu.memory_space<hbm>> -> memref<1568xi32, #tpu.memory_space<hbm>>
    tpu.enqueue_dma source(%dma_start3A_32 : memref<1568xi32, #tpu.memory_space<hbm>>) target(%arg10 : memref<1568xi32, #tpu.memory_space<vmem>>) target_semaphore(%arg20 : memref<!tpu.dma_semaphore, #tpu.memory_space<semaphore_mem>>)
    %dma_wait3A_33 = tpu.memref_slice %arg2[%add3A_24] : memref<200704xf32, #tpu.memory_space<hbm>> -> memref<1568xf32, #tpu.memory_space<hbm>>
    %dma_wait3A_34 = tpu.memref_slice %arg2[%add3A_24] : memref<200704xf32, #tpu.memory_space<hbm>> -> memref<1568xf32, #tpu.memory_space<hbm>>
    tpu.wait_dma2 semaphore(%arg18 : memref<!tpu.dma_semaphore, #tpu.memory_space<semaphore_mem>>) src(%dma_wait3A_34 : memref<1568xf32, #tpu.memory_space<hbm>>) dst(%arg8 : memref<1568xf32, #tpu.memory_space<vmem>>)
    %dma_wait3A_35 = tpu.memref_slice %arg2[%add3A_28] : memref<200704xf32, #tpu.memory_space<hbm>> -> memref<1568xf32, #tpu.memory_space<hbm>>
    %dma_wait3A_36 = tpu.memref_slice %arg2[%add3A_28] : memref<200704xf32, #tpu.memory_space<hbm>> -> memref<1568xf32, #tpu.memory_space<hbm>>
    tpu.wait_dma2 semaphore(%arg19 : memref<!tpu.dma_semaphore, #tpu.memory_space<semaphore_mem>>) src(%dma_wait3A_36 : memref<1568xf32, #tpu.memory_space<hbm>>) dst(%arg9 : memref<1568xf32, #tpu.memory_space<vmem>>)
    %dma_wait3A_37 = tpu.memref_slice %arg4[%add3A_24] : memref<100352xi32, #tpu.memory_space<hbm>> -> memref<1568xi32, #tpu.memory_space<hbm>>
    %dma_wait3A_38 = tpu.memref_slice %arg4[%add3A_24] : memref<100352xi32, #tpu.memory_space<hbm>> -> memref<1568xi32, #tpu.memory_space<hbm>>
    tpu.wait_dma2 semaphore(%arg20 : memref<!tpu.dma_semaphore, #tpu.memory_space<semaphore_mem>>) src(%dma_wait3A_38 : memref<1568xi32, #tpu.memory_space<hbm>>) dst(%arg10 : memref<1568xi32, #tpu.memory_space<vmem>>)
    %dma_start3A_39 = arith.constant 0 : i32
    %dma_start3A_40 = tpu.memref_slice %arg3[%dma_start3A_39] : memref<3200000xf32, #tpu.memory_space<hbm>> -> memref<3200000xf32, #tpu.memory_space<hbm>>
    tpu.enqueue_indirect_dma source(%dma_start3A_40 : memref<3200000xf32, #tpu.memory_space<hbm>>) target(%arg11 : memref<1568xf32, #tpu.memory_space<vmem>>) offsets(%arg10 : memref<1568xi32, #tpu.memory_space<vmem>>) semaphore(%arg18 : memref<!tpu.dma_semaphore, #tpu.memory_space<semaphore_mem>>)
    %dma_wait3A_41 = arith.constant 0 : i32
    %dma_wait3A_42 = tpu.memref_slice %arg3[%dma_wait3A_41] : memref<3200000xf32, #tpu.memory_space<hbm>> -> memref<3200000xf32, #tpu.memory_space<hbm>>
    tpu.wait_indirect_dma semaphore(%arg18 : memref<!tpu.dma_semaphore, #tpu.memory_space<semaphore_mem>>) src(%dma_wait3A_42 : memref<3200000xf32, #tpu.memory_space<hbm>>) dst(%arg11 : memref<1568xf32, #tpu.memory_space<vmem>>)
    %scan3A_43 = arith.constant 0 : i32
    %scan3A_44 = arith.constant 0 : i32
    %scan3A_45 = arith.constant 98 : i32
    %scan3A_46 = arith.addi %scan3A_44, %scan3A_45 : i32
    %scan3A_47 = arith.constant 1 : i32
    scf.for %scan3A_112 = %scan3A_44 to %scan3A_46 step %scan3A_47  : i32 {
      %mul3A_113 = arith.constant 16 : i32
      %mul3A_114 = arith.muli %scan3A_112, %mul3A_113 : i32
      %get3A = arith.index_cast %mul3A_114 : i32 to index
      %get3A_115 = tpu.vector_load %arg8[%get3A] {strides = array<i32>} : memref<1568xf32, #tpu.memory_space<vmem>>, vector<16xf32>,
      %get3A_116 = arith.index_cast %mul3A_114 : i32 to index
      %get3A_117 = tpu.vector_load %arg9[%get3A_116] {strides = array<i32>} : memref<1568xf32, #tpu.memory_space<vmem>>, vector<16xf32>,
      %add3A_118 = arith.addf %get3A_115, %get3A_117 : vector<16xf32>
      %swap3A = arith.index_cast %mul3A_114 : i32 to index
      %swap3A_119 = tpu.vector_load %arg8[%swap3A] {strides = array<i32>} : memref<1568xf32, #tpu.memory_space<vmem>>, vector<16xf32>,
      tpu.vector_store %arg8[%swap3A], %add3A_118 {strides = array<i32>} : memref<1568xf32, #tpu.memory_space<vmem>>, vector<16xf32>,
      %get3A_120 = arith.index_cast %mul3A_114 : i32 to index
      %get3A_121 = tpu.vector_load %arg11[%get3A_120] {strides = array<i32>} : memref<1568xf32, #tpu.memory_space<vmem>>, vector<16xf32>,
      %mul3A_122 = arith.mulf %add3A_118, %get3A_121 : vector<16xf32>
      %swap3A_123 = arith.index_cast %mul3A_114 : i32 to index
      %swap3A_124 = tpu.vector_load %arg11[%swap3A_123] {strides = array<i32>} : memref<1568xf32, #tpu.memory_space<vmem>>, vector<16xf32>,
      tpu.vector_store %arg11[%swap3A_123], %mul3A_122 {strides = array<i32>} : memref<1568xf32, #tpu.memory_space<vmem>>, vector<16xf32>,
    }
    %scan3A_48 = arith.constant 98 : i32
    "tpu.region"() ({
      %run_scoped3A = tpu.sem_alloc : memref<!tpu.dma_semaphore, #tpu.memory_space<semaphore_mem>>
      %dma_start3A_112 = tpu.memref_slice %arg16[%add3A_24] : memref<100352xf32, #tpu.memory_space<vmem_shared>> -> memref<1568xf32, #tpu.memory_space<vmem_shared>>
      %dma_start3A_113 = tpu.memref_slice %arg16[%add3A_24] : memref<100352xf32, #tpu.memory_space<vmem_shared>> -> memref<1568xf32, #tpu.memory_space<vmem_shared>>
      tpu.enqueue_dma source(%arg8 : memref<1568xf32, #tpu.memory_space<vmem>>) target(%dma_start3A_113 : memref<1568xf32, #tpu.memory_space<vmem_shared>>) target_semaphore(%run_scoped3A : memref<!tpu.dma_semaphore, #tpu.memory_space<semaphore_mem>>)
      %dma_wait3A_114 = tpu.memref_slice %arg16[%add3A_24] : memref<100352xf32, #tpu.memory_space<vmem_shared>> -> memref<1568xf32, #tpu.memory_space<vmem_shared>>
      %dma_wait3A_115 = tpu.memref_slice %arg16[%add3A_24] : memref<100352xf32, #tpu.memory_space<vmem_shared>> -> memref<1568xf32, #tpu.memory_space<vmem_shared>>
      tpu.wait_dma2 semaphore(%run_scoped3A : memref<!tpu.dma_semaphore, #tpu.memory_space<semaphore_mem>>) src(%arg8 : memref<1568xf32, #tpu.memory_space<vmem>>) dst(%dma_wait3A_115 : memref<1568xf32, #tpu.memory_space<vmem_shared>>)
      tpu.yield
    }) : () -> ()
    "tpu.region"() ({
      %run_scoped3A = tpu.sem_alloc : memref<!tpu.dma_semaphore, #tpu.memory_space<semaphore_mem>>
      %dma_start3A_112 = tpu.memref_slice %arg17[%add3A_24] : memref<100352xf32, #tpu.memory_space<vmem_shared>> -> memref<1568xf32, #tpu.memory_space<vmem_shared>>
      %dma_start3A_113 = tpu.memref_slice %arg17[%add3A_24] : memref<100352xf32, #tpu.memory_space<vmem_shared>> -> memref<1568xf32, #tpu.memory_space<vmem_shared>>
      tpu.enqueue_dma source(%arg11 : memref<1568xf32, #tpu.memory_space<vmem>>) target(%dma_start3A_113 : memref<1568xf32, #tpu.memory_space<vmem_shared>>) target_semaphore(%run_scoped3A : memref<!tpu.dma_semaphore, #tpu.memory_space<semaphore_mem>>)
      %dma_wait3A_114 = tpu.memref_slice %arg17[%add3A_24] : memref<100352xf32, #tpu.memory_space<vmem_shared>> -> memref<1568xf32, #tpu.memory_space<vmem_shared>>
      %dma_wait3A_115 = tpu.memref_slice %arg17[%add3A_24] : memref<100352xf32, #tpu.memory_space<vmem_shared>> -> memref<1568xf32, #tpu.memory_space<vmem_shared>>
      tpu.wait_dma2 semaphore(%run_scoped3A : memref<!tpu.dma_semaphore, #tpu.memory_space<semaphore_mem>>) src(%arg11 : memref<1568xf32, #tpu.memory_space<vmem>>) dst(%dma_wait3A_115 : memref<1568xf32, #tpu.memory_space<vmem_shared>>)
      tpu.yield
    }) : () -> ()
    %add3A_49 = arith.constant 3136 : i32
    %add3A_50 = arith.addi %mul3A_0, %add3A_49 : i32
    %dma_start3A_51 = tpu.memref_slice %arg2[%add3A_50] : memref<200704xf32, #tpu.memory_space<hbm>> -> memref<1568xf32, #tpu.memory_space<hbm>>
    %dma_start3A_52 = tpu.memref_slice %arg2[%add3A_50] : memref<200704xf32, #tpu.memory_space<hbm>> -> memref<1568xf32, #tpu.memory_space<hbm>>
    tpu.enqueue_dma source(%dma_start3A_52 : memref<1568xf32, #tpu.memory_space<hbm>>) target(%arg8 : memref<1568xf32, #tpu.memory_space<vmem>>) target_semaphore(%arg18 : memref<!tpu.dma_semaphore, #tpu.memory_space<semaphore_mem>>)
    %add3A_53 = arith.constant 100352 : i32
    %add3A_54 = arith.addi %add3A_53, %add3A_50 : i32
    %dma_start3A_55 = tpu.memref_slice %arg2[%add3A_54] : memref<200704xf32, #tpu.memory_space<hbm>> -> memref<1568xf32, #tpu.memory_space<hbm>>
    %dma_start3A_56 = tpu.memref_slice %arg2[%add3A_54] : memref<200704xf32, #tpu.memory_space<hbm>> -> memref<1568xf32, #tpu.memory_space<hbm>>
    tpu.enqueue_dma source(%dma_start3A_56 : memref<1568xf32, #tpu.memory_space<hbm>>) target(%arg9 : memref<1568xf32, #tpu.memory_space<vmem>>) target_semaphore(%arg19 : memref<!tpu.dma_semaphore, #tpu.memory_space<semaphore_mem>>)
    %dma_start3A_57 = tpu.memref_slice %arg4[%add3A_50] : memref<100352xi32, #tpu.memory_space<hbm>> -> memref<1568xi32, #tpu.memory_space<hbm>>
    %dma_start3A_58 = tpu.memref_slice %arg4[%add3A_50] : memref<100352xi32, #tpu.memory_space<hbm>> -> memref<1568xi32, #tpu.memory_space<hbm>>
    tpu.enqueue_dma source(%dma_start3A_58 : memref<1568xi32, #tpu.memory_space<hbm>>) target(%arg10 : memref<1568xi32, #tpu.memory_space<vmem>>) target_semaphore(%arg20 : memref<!tpu.dma_semaphore, #tpu.memory_space<semaphore_mem>>)
    %dma_wait3A_59 = tpu.memref_slice %arg2[%add3A_50] : memref<200704xf32, #tpu.memory_space<hbm>> -> memref<1568xf32, #tpu.memory_space<hbm>>
    %dma_wait3A_60 = tpu.memref_slice %arg2[%add3A_50] : memref<200704xf32, #tpu.memory_space<hbm>> -> memref<1568xf32, #tpu.memory_space<hbm>>
    tpu.wait_dma2 semaphore(%arg18 : memref<!tpu.dma_semaphore, #tpu.memory_space<semaphore_mem>>) src(%dma_wait3A_60 : memref<1568xf32, #tpu.memory_space<hbm>>) dst(%arg8 : memref<1568xf32, #tpu.memory_space<vmem>>)
    %dma_wait3A_61 = tpu.memref_slice %arg2[%add3A_54] : memref<200704xf32, #tpu.memory_space<hbm>> -> memref<1568xf32, #tpu.memory_space<hbm>>
    %dma_wait3A_62 = tpu.memref_slice %arg2[%add3A_54] : memref<200704xf32, #tpu.memory_space<hbm>> -> memref<1568xf32, #tpu.memory_space<hbm>>
    tpu.wait_dma2 semaphore(%arg19 : memref<!tpu.dma_semaphore, #tpu.memory_space<semaphore_mem>>) src(%dma_wait3A_62 : memref<1568xf32, #tpu.memory_space<hbm>>) dst(%arg9 : memref<1568xf32, #tpu.memory_space<vmem>>)
    %dma_wait3A_63 = tpu.memref_slice %arg4[%add3A_50] : memref<100352xi32, #tpu.memory_space<hbm>> -> memref<1568xi32, #tpu.memory_space<hbm>>
    %dma_wait3A_64 = tpu.memref_slice %arg4[%add3A_50] : memref<100352xi32, #tpu.memory_space<hbm>> -> memref<1568xi32, #tpu.memory_space<hbm>>
    tpu.wait_dma2 semaphore(%arg20 : memref<!tpu.dma_semaphore, #tpu.memory_space<semaphore_mem>>) src(%dma_wait3A_64 : memref<1568xi32, #tpu.memory_space<hbm>>) dst(%arg10 : memref<1568xi32, #tpu.memory_space<vmem>>)
    %dma_start3A_65 = arith.constant 0 : i32
    %dma_start3A_66 = tpu.memref_slice %arg3[%dma_start3A_65] : memref<3200000xf32, #tpu.memory_space<hbm>> -> memref<3200000xf32, #tpu.memory_space<hbm>>
    tpu.enqueue_indirect_dma source(%dma_start3A_66 : memref<3200000xf32, #tpu.memory_space<hbm>>) target(%arg11 : memref<1568xf32, #tpu.memory_space<vmem>>) offsets(%arg10 : memref<1568xi32, #tpu.memory_space<vmem>>) semaphore(%arg18 : memref<!tpu.dma_semaphore, #tpu.memory_space<semaphore_mem>>)
    %dma_wait3A_67 = arith.constant 0 : i32
    %dma_wait3A_68 = tpu.memref_slice %arg3[%dma_wait3A_67] : memref<3200000xf32, #tpu.memory_space<hbm>> -> memref<3200000xf32, #tpu.memory_space<hbm>>
    tpu.wait_indirect_dma semaphore(%arg18 : memref<!tpu.dma_semaphore, #tpu.memory_space<semaphore_mem>>) src(%dma_wait3A_68 : memref<3200000xf32, #tpu.memory_space<hbm>>) dst(%arg11 : memref<1568xf32, #tpu.memory_space<vmem>>)
    %scan3A_69 = arith.constant 0 : i32
    %scan3A_70 = arith.constant 0 : i32
    %scan3A_71 = arith.constant 98 : i32
    %scan3A_72 = arith.addi %scan3A_70, %scan3A_71 : i32
    %scan3A_73 = arith.constant 1 : i32
    scf.for %scan3A_112 = %scan3A_70 to %scan3A_72 step %scan3A_73  : i32 {
      %mul3A_113 = arith.constant 16 : i32
      %mul3A_114 = arith.muli %scan3A_112, %mul3A_113 : i32
      %get3A = arith.index_cast %mul3A_114 : i32 to index
      %get3A_115 = tpu.vector_load %arg8[%get3A] {strides = array<i32>} : memref<1568xf32, #tpu.memory_space<vmem>>, vector<16xf32>,
      %get3A_116 = arith.index_cast %mul3A_114 : i32 to index
      %get3A_117 = tpu.vector_load %arg9[%get3A_116] {strides = array<i32>} : memref<1568xf32, #tpu.memory_space<vmem>>, vector<16xf32>,
      %add3A_118 = arith.addf %get3A_115, %get3A_117 : vector<16xf32>
      %swap3A = arith.index_cast %mul3A_114 : i32 to index
      %swap3A_119 = tpu.vector_load %arg8[%swap3A] {strides = array<i32>} : memref<1568xf32, #tpu.memory_space<vmem>>, vector<16xf32>,
      tpu.vector_store %arg8[%swap3A], %add3A_118 {strides = array<i32>} : memref<1568xf32, #tpu.memory_space<vmem>>, vector<16xf32>,
      %get3A_120 = arith.index_cast %mul3A_114 : i32 to index
      %get3A_121 = tpu.vector_load %arg11[%get3A_120] {strides = array<i32>} : memref<1568xf32, #tpu.memory_space<vmem>>, vector<16xf32>,
      %mul3A_122 = arith.mulf %add3A_118, %get3A_121 : vector<16xf32>
      %swap3A_123 = arith.index_cast %mul3A_114 : i32 to index
      %swap3A_124 = tpu.vector_load %arg11[%swap3A_123] {strides = array<i32>} : memref<1568xf32, #tpu.memory_space<vmem>>, vector<16xf32>,
      tpu.vector_store %arg11[%swap3A_123], %mul3A_122 {strides = array<i32>} : memref<1568xf32, #tpu.memory_space<vmem>>, vector<16xf32>,
    }
    %scan3A_74 = arith.constant 98 : i32
    "tpu.region"() ({
      %run_scoped3A = tpu.sem_alloc : memref<!tpu.dma_semaphore, #tpu.memory_space<semaphore_mem>>
      %dma_start3A_112 = tpu.memref_slice %arg16[%add3A_50] : memref<100352xf32, #tpu.memory_space<vmem_shared>> -> memref<1568xf32, #tpu.memory_space<vmem_shared>>
      %dma_start3A_113 = tpu.memref_slice %arg16[%add3A_50] : memref<100352xf32, #tpu.memory_space<vmem_shared>> -> memref<1568xf32, #tpu.memory_space<vmem_shared>>
      tpu.enqueue_dma source(%arg8 : memref<1568xf32, #tpu.memory_space<vmem>>) target(%dma_start3A_113 : memref<1568xf32, #tpu.memory_space<vmem_shared>>) target_semaphore(%run_scoped3A : memref<!tpu.dma_semaphore, #tpu.memory_space<semaphore_mem>>)
      %dma_wait3A_114 = tpu.memref_slice %arg16[%add3A_50] : memref<100352xf32, #tpu.memory_space<vmem_shared>> -> memref<1568xf32, #tpu.memory_space<vmem_shared>>
      %dma_wait3A_115 = tpu.memref_slice %arg16[%add3A_50] : memref<100352xf32, #tpu.memory_space<vmem_shared>> -> memref<1568xf32, #tpu.memory_space<vmem_shared>>
      tpu.wait_dma2 semaphore(%run_scoped3A : memref<!tpu.dma_semaphore, #tpu.memory_space<semaphore_mem>>) src(%arg8 : memref<1568xf32, #tpu.memory_space<vmem>>) dst(%dma_wait3A_115 : memref<1568xf32, #tpu.memory_space<vmem_shared>>)
      tpu.yield
    }) : () -> ()
    "tpu.region"() ({
      %run_scoped3A = tpu.sem_alloc : memref<!tpu.dma_semaphore, #tpu.memory_space<semaphore_mem>>
      %dma_start3A_112 = tpu.memref_slice %arg17[%add3A_50] : memref<100352xf32, #tpu.memory_space<vmem_shared>> -> memref<1568xf32, #tpu.memory_space<vmem_shared>>
      %dma_start3A_113 = tpu.memref_slice %arg17[%add3A_50] : memref<100352xf32, #tpu.memory_space<vmem_shared>> -> memref<1568xf32, #tpu.memory_space<vmem_shared>>
      tpu.enqueue_dma source(%arg11 : memref<1568xf32, #tpu.memory_space<vmem>>) target(%dma_start3A_113 : memref<1568xf32, #tpu.memory_space<vmem_shared>>) target_semaphore(%run_scoped3A : memref<!tpu.dma_semaphore, #tpu.memory_space<semaphore_mem>>)
      %dma_wait3A_114 = tpu.memref_slice %arg17[%add3A_50] : memref<100352xf32, #tpu.memory_space<vmem_shared>> -> memref<1568xf32, #tpu.memory_space<vmem_shared>>
      %dma_wait3A_115 = tpu.memref_slice %arg17[%add3A_50] : memref<100352xf32, #tpu.memory_space<vmem_shared>> -> memref<1568xf32, #tpu.memory_space<vmem_shared>>
      tpu.wait_dma2 semaphore(%run_scoped3A : memref<!tpu.dma_semaphore, #tpu.memory_space<semaphore_mem>>) src(%arg11 : memref<1568xf32, #tpu.memory_space<vmem>>) dst(%dma_wait3A_115 : memref<1568xf32, #tpu.memory_space<vmem_shared>>)
      tpu.yield
    }) : () -> ()
    %add3A_75 = arith.constant 4704 : i32
    %add3A_76 = arith.addi %mul3A_0, %add3A_75 : i32
    %dma_start3A_77 = tpu.memref_slice %arg2[%add3A_76] : memref<200704xf32, #tpu.memory_space<hbm>> -> memref<1568xf32, #tpu.memory_space<hbm>>
    %dma_start3A_78 = tpu.memref_slice %arg2[%add3A_76] : memref<200704xf32, #tpu.memory_space<hbm>> -> memref<1568xf32, #tpu.memory_space<hbm>>
    tpu.enqueue_dma source(%dma_start3A_78 : memref<1568xf32, #tpu.memory_space<hbm>>) target(%arg8 : memref<1568xf32, #tpu.memory_space<vmem>>) target_semaphore(%arg18 : memref<!tpu.dma_semaphore, #tpu.memory_space<semaphore_mem>>)
    %add3A_79 = arith.constant 100352 : i32
    %add3A_80 = arith.addi %add3A_79, %add3A_76 : i32
    %dma_start3A_81 = tpu.memref_slice %arg2[%add3A_80] : memref<200704xf32, #tpu.memory_space<hbm>> -> memref<1568xf32, #tpu.memory_space<hbm>>
    %dma_start3A_82 = tpu.memref_slice %arg2[%add3A_80] : memref<200704xf32, #tpu.memory_space<hbm>> -> memref<1568xf32, #tpu.memory_space<hbm>>
    tpu.enqueue_dma source(%dma_start3A_82 : memref<1568xf32, #tpu.memory_space<hbm>>) target(%arg9 : memref<1568xf32, #tpu.memory_space<vmem>>) target_semaphore(%arg19 : memref<!tpu.dma_semaphore, #tpu.memory_space<semaphore_mem>>)
    %dma_start3A_83 = tpu.memref_slice %arg4[%add3A_76] : memref<100352xi32, #tpu.memory_space<hbm>> -> memref<1568xi32, #tpu.memory_space<hbm>>
    %dma_start3A_84 = tpu.memref_slice %arg4[%add3A_76] : memref<100352xi32, #tpu.memory_space<hbm>> -> memref<1568xi32, #tpu.memory_space<hbm>>
    tpu.enqueue_dma source(%dma_start3A_84 : memref<1568xi32, #tpu.memory_space<hbm>>) target(%arg10 : memref<1568xi32, #tpu.memory_space<vmem>>) target_semaphore(%arg20 : memref<!tpu.dma_semaphore, #tpu.memory_space<semaphore_mem>>)
    %dma_wait3A_85 = tpu.memref_slice %arg2[%add3A_76] : memref<200704xf32, #tpu.memory_space<hbm>> -> memref<1568xf32, #tpu.memory_space<hbm>>
    %dma_wait3A_86 = tpu.memref_slice %arg2[%add3A_76] : memref<200704xf32, #tpu.memory_space<hbm>> -> memref<1568xf32, #tpu.memory_space<hbm>>
    tpu.wait_dma2 semaphore(%arg18 : memref<!tpu.dma_semaphore, #tpu.memory_space<semaphore_mem>>) src(%dma_wait3A_86 : memref<1568xf32, #tpu.memory_space<hbm>>) dst(%arg8 : memref<1568xf32, #tpu.memory_space<vmem>>)
    %dma_wait3A_87 = tpu.memref_slice %arg2[%add3A_80] : memref<200704xf32, #tpu.memory_space<hbm>> -> memref<1568xf32, #tpu.memory_space<hbm>>
    %dma_wait3A_88 = tpu.memref_slice %arg2[%add3A_80] : memref<200704xf32, #tpu.memory_space<hbm>> -> memref<1568xf32, #tpu.memory_space<hbm>>
    tpu.wait_dma2 semaphore(%arg19 : memref<!tpu.dma_semaphore, #tpu.memory_space<semaphore_mem>>) src(%dma_wait3A_88 : memref<1568xf32, #tpu.memory_space<hbm>>) dst(%arg9 : memref<1568xf32, #tpu.memory_space<vmem>>)
    %dma_wait3A_89 = tpu.memref_slice %arg4[%add3A_76] : memref<100352xi32, #tpu.memory_space<hbm>> -> memref<1568xi32, #tpu.memory_space<hbm>>
    %dma_wait3A_90 = tpu.memref_slice %arg4[%add3A_76] : memref<100352xi32, #tpu.memory_space<hbm>> -> memref<1568xi32, #tpu.memory_space<hbm>>
    tpu.wait_dma2 semaphore(%arg20 : memref<!tpu.dma_semaphore, #tpu.memory_space<semaphore_mem>>) src(%dma_wait3A_90 : memref<1568xi32, #tpu.memory_space<hbm>>) dst(%arg10 : memref<1568xi32, #tpu.memory_space<vmem>>)
    %dma_start3A_91 = arith.constant 0 : i32
    %dma_start3A_92 = tpu.memref_slice %arg3[%dma_start3A_91] : memref<3200000xf32, #tpu.memory_space<hbm>> -> memref<3200000xf32, #tpu.memory_space<hbm>>
    tpu.enqueue_indirect_dma source(%dma_start3A_92 : memref<3200000xf32, #tpu.memory_space<hbm>>) target(%arg11 : memref<1568xf32, #tpu.memory_space<vmem>>) offsets(%arg10 : memref<1568xi32, #tpu.memory_space<vmem>>) semaphore(%arg18 : memref<!tpu.dma_semaphore, #tpu.memory_space<semaphore_mem>>)
    %dma_wait3A_93 = arith.constant 0 : i32
    %dma_wait3A_94 = tpu.memref_slice %arg3[%dma_wait3A_93] : memref<3200000xf32, #tpu.memory_space<hbm>> -> memref<3200000xf32, #tpu.memory_space<hbm>>
    tpu.wait_indirect_dma semaphore(%arg18 : memref<!tpu.dma_semaphore, #tpu.memory_space<semaphore_mem>>) src(%dma_wait3A_94 : memref<3200000xf32, #tpu.memory_space<hbm>>) dst(%arg11 : memref<1568xf32, #tpu.memory_space<vmem>>)
    %scan3A_95 = arith.constant 0 : i32
    %scan3A_96 = arith.constant 0 : i32
    %scan3A_97 = arith.constant 98 : i32
    %scan3A_98 = arith.addi %scan3A_96, %scan3A_97 : i32
    %scan3A_99 = arith.constant 1 : i32
    scf.for %scan3A_112 = %scan3A_96 to %scan3A_98 step %scan3A_99  : i32 {
      %mul3A_113 = arith.constant 16 : i32
      %mul3A_114 = arith.muli %scan3A_112, %mul3A_113 : i32
      %get3A = arith.index_cast %mul3A_114 : i32 to index
      %get3A_115 = tpu.vector_load %arg8[%get3A] {strides = array<i32>} : memref<1568xf32, #tpu.memory_space<vmem>>, vector<16xf32>,
      %get3A_116 = arith.index_cast %mul3A_114 : i32 to index
      %get3A_117 = tpu.vector_load %arg9[%get3A_116] {strides = array<i32>} : memref<1568xf32, #tpu.memory_space<vmem>>, vector<16xf32>,
      %add3A_118 = arith.addf %get3A_115, %get3A_117 : vector<16xf32>
      %swap3A = arith.index_cast %mul3A_114 : i32 to index
      %swap3A_119 = tpu.vector_load %arg8[%swap3A] {strides = array<i32>} : memref<1568xf32, #tpu.memory_space<vmem>>, vector<16xf32>,
      tpu.vector_store %arg8[%swap3A], %add3A_118 {strides = array<i32>} : memref<1568xf32, #tpu.memory_space<vmem>>, vector<16xf32>,
      %get3A_120 = arith.index_cast %mul3A_114 : i32 to index
      %get3A_121 = tpu.vector_load %arg11[%get3A_120] {strides = array<i32>} : memref<1568xf32, #tpu.memory_space<vmem>>, vector<16xf32>,
      %mul3A_122 = arith.mulf %add3A_118, %get3A_121 : vector<16xf32>
      %swap3A_123 = arith.index_cast %mul3A_114 : i32 to index
      %swap3A_124 = tpu.vector_load %arg11[%swap3A_123] {strides = array<i32>} : memref<1568xf32, #tpu.memory_space<vmem>>, vector<16xf32>,
      tpu.vector_store %arg11[%swap3A_123], %mul3A_122 {strides = array<i32>} : memref<1568xf32, #tpu.memory_space<vmem>>, vector<16xf32>,
    }
    %scan3A_100 = arith.constant 98 : i32
    "tpu.region"() ({
      %run_scoped3A = tpu.sem_alloc : memref<!tpu.dma_semaphore, #tpu.memory_space<semaphore_mem>>
      %dma_start3A_112 = tpu.memref_slice %arg16[%add3A_76] : memref<100352xf32, #tpu.memory_space<vmem_shared>> -> memref<1568xf32, #tpu.memory_space<vmem_shared>>
      %dma_start3A_113 = tpu.memref_slice %arg16[%add3A_76] : memref<100352xf32, #tpu.memory_space<vmem_shared>> -> memref<1568xf32, #tpu.memory_space<vmem_shared>>
      tpu.enqueue_dma source(%arg8 : memref<1568xf32, #tpu.memory_space<vmem>>) target(%dma_start3A_113 : memref<1568xf32, #tpu.memory_space<vmem_shared>>) target_semaphore(%run_scoped3A : memref<!tpu.dma_semaphore, #tpu.memory_space<semaphore_mem>>)
      %dma_wait3A_114 = tpu.memref_slice %arg16[%add3A_76] : memref<100352xf32, #tpu.memory_space<vmem_shared>> -> memref<1568xf32, #tpu.memory_space<vmem_shared>>
      %dma_wait3A_115 = tpu.memref_slice %arg16[%add3A_76] : memref<100352xf32, #tpu.memory_space<vmem_shared>> -> memref<1568xf32, #tpu.memory_space<vmem_shared>>
      tpu.wait_dma2 semaphore(%run_scoped3A : memref<!tpu.dma_semaphore, #tpu.memory_space<semaphore_mem>>) src(%arg8 : memref<1568xf32, #tpu.memory_space<vmem>>) dst(%dma_wait3A_115 : memref<1568xf32, #tpu.memory_space<vmem_shared>>)
      tpu.yield
    }) : () -> ()
    "tpu.region"() ({
      %run_scoped3A = tpu.sem_alloc : memref<!tpu.dma_semaphore, #tpu.memory_space<semaphore_mem>>
      %dma_start3A_112 = tpu.memref_slice %arg17[%add3A_76] : memref<100352xf32, #tpu.memory_space<vmem_shared>> -> memref<1568xf32, #tpu.memory_space<vmem_shared>>
      %dma_start3A_113 = tpu.memref_slice %arg17[%add3A_76] : memref<100352xf32, #tpu.memory_space<vmem_shared>> -> memref<1568xf32, #tpu.memory_space<vmem_shared>>
      tpu.enqueue_dma source(%arg11 : memref<1568xf32, #tpu.memory_space<vmem>>) target(%dma_start3A_113 : memref<1568xf32, #tpu.memory_space<vmem_shared>>) target_semaphore(%run_scoped3A : memref<!tpu.dma_semaphore, #tpu.memory_space<semaphore_mem>>)
      %dma_wait3A_114 = tpu.memref_slice %arg17[%add3A_76] : memref<100352xf32, #tpu.memory_space<vmem_shared>> -> memref<1568xf32, #tpu.memory_space<vmem_shared>>
      %dma_wait3A_115 = tpu.memref_slice %arg17[%add3A_76] : memref<100352xf32, #tpu.memory_space<vmem_shared>> -> memref<1568xf32, #tpu.memory_space<vmem_shared>>
      tpu.wait_dma2 semaphore(%run_scoped3A : memref<!tpu.dma_semaphore, #tpu.memory_space<semaphore_mem>>) src(%arg11 : memref<1568xf32, #tpu.memory_space<vmem>>) dst(%dma_wait3A_115 : memref<1568xf32, #tpu.memory_space<vmem_shared>>)
      tpu.yield
    }) : () -> ()
    %barrier3A = arith.constant 0 : index
    tpu.barrier barrier_id(%barrier3A)
    "tpu.region"() ({
      %run_scoped3A = tpu.sem_alloc : memref<!tpu.dma_semaphore, #tpu.memory_space<semaphore_mem>>
      tpu.enqueue_dma source(%arg16 : memref<100352xf32, #tpu.memory_space<vmem_shared>>) target(%arg15 : memref<100352xf32, #tpu.memory_space<vmem>>) target_semaphore(%run_scoped3A : memref<!tpu.dma_semaphore, #tpu.memory_space<semaphore_mem>>)
      tpu.wait_dma2 semaphore(%run_scoped3A : memref<!tpu.dma_semaphore, #tpu.memory_space<semaphore_mem>>) src(%arg16 : memref<100352xf32, #tpu.memory_space<vmem_shared>>) dst(%arg15 : memref<100352xf32, #tpu.memory_space<vmem>>)
      tpu.yield
    }) : () -> ()
    %mul3A_101 = arith.constant 16 : i32
    %mul3A_102 = arith.muli %arg0, %mul3A_101 : i32
    %add3A_103 = arith.addi %mul3A_102, %arg1 : i32
    %mul3A_104 = arith.constant 100000 : i32
    %mul3A_105 = arith.muli %add3A_103, %mul3A_104 : i32
    %scan3A_106 = arith.constant 0 : i32
    %scan3A_107 = arith.constant 0 : i32
    %scan3A_108 = arith.constant 50 : i32
    %scan3A_109 = arith.addi %scan3A_107, %scan3A_108 : i32
    %scan3A_110 = arith.constant 1 : i32
    scf.for %scan3A_112 = %scan3A_107 to %scan3A_109 step %scan3A_110  : i32 {
      %mul3A_113 = arith.constant 2000 : i32
      %mul3A_114 = arith.muli %scan3A_112, %mul3A_113 : i32
      %add3A_115 = arith.addi %mul3A_105, %mul3A_114 : i32
      "tpu.region"() ({
        %run_scoped3A = tpu.sem_alloc : memref<!tpu.dma_semaphore, #tpu.memory_space<semaphore_mem>>
        %dma_start3A_130 = tpu.memref_slice %arg5[%add3A_115] : memref<3200000xi32, #tpu.memory_space<hbm>> -> memref<2000xi32, #tpu.memory_space<hbm>>
        %dma_start3A_131 = tpu.memref_slice %arg5[%add3A_115] : memref<3200000xi32, #tpu.memory_space<hbm>> -> memref<2000xi32, #tpu.memory_space<hbm>>
        tpu.enqueue_dma source(%dma_start3A_131 : memref<2000xi32, #tpu.memory_space<hbm>>) target(%arg12 : memref<2000xi32, #tpu.memory_space<vmem>>) target_semaphore(%run_scoped3A : memref<!tpu.dma_semaphore, #tpu.memory_space<semaphore_mem>>)
        %dma_wait3A_132 = tpu.memref_slice %arg5[%add3A_115] : memref<3200000xi32, #tpu.memory_space<hbm>> -> memref<2000xi32, #tpu.memory_space<hbm>>
        %dma_wait3A_133 = tpu.memref_slice %arg5[%add3A_115] : memref<3200000xi32, #tpu.memory_space<hbm>> -> memref<2000xi32, #tpu.memory_space<hbm>>
        tpu.wait_dma2 semaphore(%run_scoped3A : memref<!tpu.dma_semaphore, #tpu.memory_space<semaphore_mem>>) src(%dma_wait3A_133 : memref<2000xi32, #tpu.memory_space<hbm>>) dst(%arg12 : memref<2000xi32, #tpu.memory_space<vmem>>)
        tpu.yield
      }) : () -> ()
      %dma_start3A_116 = arith.constant 0 : i32
      %dma_start3A_117 = tpu.memref_slice %arg17[%dma_start3A_116] : memref<100352xf32, #tpu.memory_space<vmem_shared>> -> memref<100352xf32, #tpu.memory_space<vmem_shared>>
      tpu.enqueue_indirect_dma source(%dma_start3A_117 : memref<100352xf32, #tpu.memory_space<vmem_shared>>) target(%arg14 : memref<2000xf32, #tpu.memory_space<vmem>>) offsets(%arg12 : memref<2000xi32, #tpu.memory_space<vmem>>) semaphore(%arg18 : memref<!tpu.dma_semaphore, #tpu.memory_space<semaphore_mem>>)
      %parallel_loop3A = arith.constant 0 : i32
      %parallel_loop3A_118 = arith.constant 125 : i32
      %parallel_loop3A_119 = arith.constant 1 : i32
      scf.for %parallel_loop3A_130 = %parallel_loop3A to %parallel_loop3A_118 step %parallel_loop3A_119  : i32 {
        %parallel_loop3A_131 = arith.constant 16 : i32
        %parallel_loop3A_132 = arith.muli %parallel_loop3A_130, %parallel_loop3A_131 : i32
        %parallel_loop3A_133 = arith.index_cast %parallel_loop3A_132 : i32 to index
        %parallel_loop3A_134 = tpu.vector_load %arg12[%parallel_loop3A_133] {strides = array<i32>} : memref<2000xi32, #tpu.memory_space<vmem>>, vector<16xi32>,
        %parallel_loop3A_135 = tpu.vector_load_idx %arg15[%parallel_loop3A_134] : memref<100352xf32, #tpu.memory_space<vmem>>[vector<16xi32>], vector<16xf32>,
        %parallel_loop3A_136 = arith.index_cast %parallel_loop3A_132 : i32 to index
        %parallel_loop3A_137 = tpu.vector_load %arg13[%parallel_loop3A_136] {strides = array<i32>} : memref<2000xf32, #tpu.memory_space<vmem>>, vector<16xf32>,
        tpu.vector_store %arg13[%parallel_loop3A_136], %parallel_loop3A_135 {strides = array<i32>} : memref<2000xf32, #tpu.memory_space<vmem>>, vector<16xf32>,
      } {sc.loop_unroll_factor = 8 : i64, sc.parallel_access}
      %dma_wait3A_120 = arith.constant 0 : i32
      %dma_wait3A_121 = tpu.memref_slice %arg17[%dma_wait3A_120] : memref<100352xf32, #tpu.memory_space<vmem_shared>> -> memref<100352xf32, #tpu.memory_space<vmem_shared>>
      tpu.wait_indirect_dma semaphore(%arg18 : memref<!tpu.dma_semaphore, #tpu.memory_space<semaphore_mem>>) src(%dma_wait3A_121 : memref<100352xf32, #tpu.memory_space<vmem_shared>>) dst(%arg14 : memref<2000xf32, #tpu.memory_space<vmem>>)
      %dma_start3A_122 = tpu.memref_slice %arg6[%add3A_115] : memref<3200000xf32, #tpu.memory_space<hbm>> -> memref<2000xf32, #tpu.memory_space<hbm>>
      %dma_start3A_123 = tpu.memref_slice %arg6[%add3A_115] : memref<3200000xf32, #tpu.memory_space<hbm>> -> memref<2000xf32, #tpu.memory_space<hbm>>
      tpu.enqueue_dma source(%arg13 : memref<2000xf32, #tpu.memory_space<vmem>>) target(%dma_start3A_123 : memref<2000xf32, #tpu.memory_space<hbm>>) target_semaphore(%arg19 : memref<!tpu.dma_semaphore, #tpu.memory_space<semaphore_mem>>)
      %dma_start3A_124 = tpu.memref_slice %arg7[%add3A_115] : memref<3200000xf32, #tpu.memory_space<hbm>> -> memref<2000xf32, #tpu.memory_space<hbm>>
      %dma_start3A_125 = tpu.memref_slice %arg7[%add3A_115] : memref<3200000xf32, #tpu.memory_space<hbm>> -> memref<2000xf32, #tpu.memory_space<hbm>>
      tpu.enqueue_dma source(%arg14 : memref<2000xf32, #tpu.memory_space<vmem>>) target(%dma_start3A_125 : memref<2000xf32, #tpu.memory_space<hbm>>) target_semaphore(%arg20 : memref<!tpu.dma_semaphore, #tpu.memory_space<semaphore_mem>>)
      %dma_wait3A_126 = tpu.memref_slice %arg6[%add3A_115] : memref<3200000xf32, #tpu.memory_space<hbm>> -> memref<2000xf32, #tpu.memory_space<hbm>>
      %dma_wait3A_127 = tpu.memref_slice %arg6[%add3A_115] : memref<3200000xf32, #tpu.memory_space<hbm>> -> memref<2000xf32, #tpu.memory_space<hbm>>
      tpu.wait_dma2 semaphore(%arg19 : memref<!tpu.dma_semaphore, #tpu.memory_space<semaphore_mem>>) src(%arg13 : memref<2000xf32, #tpu.memory_space<vmem>>) dst(%dma_wait3A_127 : memref<2000xf32, #tpu.memory_space<hbm>>)
      %dma_wait3A_128 = tpu.memref_slice %arg7[%add3A_115] : memref<3200000xf32, #tpu.memory_space<hbm>> -> memref<2000xf32, #tpu.memory_space<hbm>>
      %dma_wait3A_129 = tpu.memref_slice %arg7[%add3A_115] : memref<3200000xf32, #tpu.memory_space<hbm>> -> memref<2000xf32, #tpu.memory_space<hbm>>
      tpu.wait_dma2 semaphore(%arg20 : memref<!tpu.dma_semaphore, #tpu.memory_space<semaphore_mem>>) src(%arg14 : memref<2000xf32, #tpu.memory_space<vmem>>) dst(%dma_wait3A_129 : memref<2000xf32, #tpu.memory_space<hbm>>)
    }
    %scan3A_111 = arith.constant 50 : i32
    return
  }
}

</mosaic_0001>

<sc_bundles>
// kernel: kernel.4.cloned.1.call-start
scs
__scs_entry_jumppad:
0x0: {  	(pc) =	sbr.rel $0x88, $3  }
0x1: {  	(tag) =	ssettag $0x0;
	lr =	simm.s32 $0x1  }
0x2: {  	[smem:$0x3F9D] =	sst lr;
	_ =	strace $0xD0000000  }
0x3: {  	_ = 	snop  }
0x4: {  	_ = 	snop  }
0x5: {  	_ = 	snop  }
0x6: {  	_ = 	snop  }
0x7: {  	_ = 	snop  }
__scs_overlays_trampoline_lowered:
0x8: {  	[smem:$0x3FAC] =	sst s0  }
0x9: {  	[smem:$0x3FAD] =	sst s1  }
0xa: {  	[smem:$0x3FAE] =	sst s2  }
0xb: {  	[smem:$0x3FAF] =	sst s3  }
0xc: {  	[smem:$0x3FB0] =	sst s4  }
0xd: {  	[smem:$0x3FB1] =	sst s5  }
0xe: {  	[smem:$0x3FB2] =	sst s6  }
0xf: {  	[smem:$0x3FB3] =	sst s7  }
0x10: {  	[smem:$0x3FB4] =	sst s8  }
0x11: {  	[smem:$0x3FB5] =	sst s9;
	s0 =	simm.s32 @!p0 $0x0  }
0x12: {  	s1 =	sld [smem:$0x3F9B];
	s0 =	simm.s32 @p0 $0x1  }
0x13: {  	[smem:$0x3FB6] =	sst s0;
	s0 =	simm.s32 @!p1 $0x0  }
0x14: {  	s2 =	sld [smem:$0x3F9A];
	s0 =	simm.s32 @p1 $0x1  }
0x15: {  	[smem:$0x3FB7] =	sst s0;
	s0 =	simm.s32 @!p2 $0x0  }
0x16: {  	s3 =	sld [smem:$0x3FDB];
	s0 =	simm.s32 @p2 $0x1  }
0x17: {  	s4 =	simm.s32 $0x1BF5;
	[smem:$0x3FB9] =	sst s0  }
0x18: {  	s0 =	sld [smem:$0x3F9C];
	_ =	swait.ge [sflag:s4], $0x0  }
0x19: {  	s7 =	sld [smem:$0x3F9D]  }
0x1a: {  	s8 =	sadd.s32 $0xFFFFE003, lr  }
0x1b: {  	s9 =	sadd.s32 $0xFFFFFEF7, lr;
	s5 =	simm.s32 $0xFFFFFFFF;
	p2 =	slt.u32 s8, $0xFFFFF086  }
0x1c: {  	p1 =	slt.u32 s9, $0xF7A;
	s5 =	simm.s32 @!p2 $0x0  }
0x1d: {  	s5 =	simm.s32 @p1 $0x1;
	p0 =	seq.s32 s7, s2  }
0x1e: {  	s7 =	smul.u32 @!p0 $0xF7A, s2;
	p2 =	seq.s32 @!p0 s5, $0x0  }
0x1f: {  	s9 =	smul.u32 $0xF7A, s1;
	s8 =	simm.s32 @!p0 $0x1BF5;
	p2 =	por !p2, p0  }
0x20: {  	[sflag:s8] =	ssyncset.s32 @!p0 $0xFFFFF086;
	s6 =	sadd.s32 @!p0 s3, s7;
	s7 =	simm.s32 @!p0 $0x108  }
0x21: {  	s3 =	sadd.s32 s3, s9;
	s6 =	sadd.s32 @!p0 $0x88, s6;
	s7 =	simm.s32 @p2 $0x1082  }
0x22: {  	[simem:s7], [sflag:s8] =	dma.local @!p0 [hbm:s6], $0xF7A  }
0x23: {  	s9 =	sor.u32 $0xD0000000, s2;
	s6 =	simm.s32 $0x108;
	_ =	swait.ge @!p0 [sflag:s8], $0x0  }
0x24: {  	s3 =	sadd.s32 $0x88, s3;
	s6 =	simm.s32 @!p1 $0x1082;
	[sflag:s4] =	ssyncset.s32 $0xFFFFF086  }
0x25: {  	[simem:s6], [sflag:s4] =	dma.local [hbm:s3], $0xF7A  }
0x26: {  	[smem:$0x3F9D] =	sst s1;
	(tag) =	ssettag s2;
	_ =	strace s9  }
0x27: {  	s1 =	sld [smem:$0x3FAD]  }
0x28: {  	s2 =	sld [smem:$0x3FAE]  }
0x29: {  	s4 =	sld [smem:$0x3FB0]  }
0x2a: {  	p0 =	seq.s32 s5, $0x0;
	s5 =	sld [smem:$0x3FB1]  }
0x2b: {  	s6 =	sld [smem:$0x3FB2]  }
0x2c: {  	s7 =	sld [smem:$0x3FB3]  }
0x2d: {  	s3 =	simm.s32 $0x108;
	s8 =	sld [smem:$0x3FB4]  }
0x2e: {  	s3 =	simm.s32 @!p0 $0x1082;
	s9 =	sld [smem:$0x3FB5]  }
0x2f: {  	lr =	sadd.s32 s0, s3;
	s0 =	sld [smem:$0x3FAC]  }
0x30: {  	s3 =	sld [smem:$0x3FAF]  }
0x31: {  	[smem:$0x3FB8] =	sst s10  }
0x32: {  	s10 =	sld [smem:$0x3FB6];
	_ =	sdelay $0x3  }
0x33: {  	p0 =	seq.s32 s10, $0x1;
	s10 =	sld [smem:$0x3FB8];
	_ =	sdelay $0x3  }
0x34: {  	[smem:$0x3FB8] =	sst s10  }
0x35: {  	s10 =	sld [smem:$0x3FB7];
	_ =	sdelay $0x3  }
0x36: {  	p1 =	seq.s32 s10, $0x1;
	s10 =	sld [smem:$0x3FB8];
	_ =	sdelay $0x3  }
0x37: {  	[smem:$0x3FB8] =	sst s10  }
0x38: {  	s10 =	sld [smem:$0x3FB9]  }
0x39: {  	_ = 	snop;
	(pc) =	sbr.ind lr, $3  }
0x3a: {  	_ = 	snop  }
0x3b: {  	_ = 	snop  }
0x3c: {  	p2 =	seq.s32 s10, $0x1;
	s10 =	sld [smem:$0x3FB8]  }
0x3d: {  	_ =	shalt  }
0x3e: {  	_ =	shalt  }
0x3f: {  	_ =	shalt  }
0x40: {  	_ =	shalt  }
0x41: {  	_ =	shalt  }
0x42: {  	_ =	shalt  }
0x43: {  	_ =	shalt  }
0x44: {  	_ =	shalt  }
0x45: {  	_ =	shalt  }
0x46: {  	_ =	shalt  }
0x47: {  	_ =	shalt  }
0x48: {  	_ =	shalt  }
0x49: {  	_ =	shalt  }
0x4a: {  	_ =	shalt  }
0x4b: {  	_ =	shalt  }
0x4c: {  	_ =	shalt  }
0x4d: {  	_ =	shalt  }
0x4e: {  	_ =	shalt  }
0x4f: {  	_ =	shalt  }
0x50: {  	_ =	shalt  }
0x51: {  	_ =	shalt  }
0x52: {  	_ =	shalt  }
0x53: {  	_ =	shalt  }
0x54: {  	_ =	shalt  }
0x55: {  	_ =	shalt  }
0x56: {  	_ =	shalt  }
0x57: {  	_ =	shalt  }
0x58: {  	_ =	shalt  }
0x59: {  	_ =	shalt  }
0x5a: {  	_ =	shalt  }
0x5b: {  	_ =	shalt  }
0x5c: {  	_ =	shalt  }
0x5d: {  	_ =	shalt  }
0x5e: {  	_ =	shalt  }
0x5f: {  	_ =	shalt  }
0x60: {  	_ =	shalt  }
0x61: {  	_ =	shalt  }
0x62: {  	_ =	shalt  }
0x63: {  	_ =	shalt  }
0x64: {  	_ =	shalt  }
0x65: {  	_ =	shalt  }
0x66: {  	_ =	shalt  }
0x67: {  	_ =	shalt  }
0x68: {  	_ =	shalt  }
0x69: {  	_ =	shalt  }
0x6a: {  	_ =	shalt  }
0x6b: {  	_ =	shalt  }
0x6c: {  	_ =	shalt  }
0x6d: {  	_ =	shalt  }
0x6e: {  	_ =	shalt  }
0x6f: {  	_ =	shalt  }
0x70: {  	_ =	shalt  }
0x71: {  	_ =	shalt  }
0x72: {  	_ =	shalt  }
0x73: {  	_ =	shalt  }
0x74: {  	_ =	shalt  }
0x75: {  	_ =	shalt  }
0x76: {  	_ =	shalt  }
0x77: {  	_ =	shalt  }
0x78: {  	_ =	shalt  }
0x79: {  	_ =	shalt  }
0x7a: {  	_ =	shalt  }
0x7b: {  	_ =	shalt  }
0x7c: {  	_ =	shalt  }
0x7d: {  	_ =	shalt  }
0x7e: {  	_ =	shalt  }
0x7f: {  	_ =	shalt  }
0x80: {  	_ =	shalt  }
0x81: {  	_ =	shalt  }
0x82: {  	_ =	shalt  }
0x83: {  	_ =	shalt  }
0x84: {  	_ =	shalt  }
0x85: {  	_ =	shalt  }
0x86: {  	_ =	shalt  }
0x87: {  	_ =	shalt  }
.Lfunc_end0:
.L_simem_size_0:
called_computation_lowered:
.L_overlay_start_0:
0x88: {  	s2 =	sld [smem:$0x3FD9]  }
0x89: {  	s3 =	sld [smem:$0x3FFE];
	_ =	sdelay $0x1  }
0x8a: {  	s1 =	srdreg.scid  }
0x8b: {  	s0 =	sand.u32 $0x1, s1  }
0x8c: {  	s17 =	sshll.u32 s0, $0xA;
	s2 =	sadd.s32 s3, s2  }
0x8d: {  	s2 =	sadd.s32 s2, s17  }
0x8e: {  	[smem:$0x3FC4] =	sst s2  }
0x8f: {  	_ = 	snop  }
0x90: {  	s2 =	sld [smem:$0x3FC9]  }
0x91: {  	s18 =	sld [smem:$0x3FC7];
	(tm) =	ssettm $0x1  }
0x92: {  	s4 =	sld [smem:$0x3FFB];
	_ =	sdelay $0x3  }
0x93: {  	_ =	strace s4  }
0x94: {  	s4 =	sld [smem:$0x3FFC];
	_ =	sdelay $0x3  }
0x95: {  	_ =	strace s4  }
0x96: {  	s4 =	sld [smem:$0x3FFD];
	_ =	sdelay $0x3  }
0x97: {  	_ =	strace s4  }
0x98: {  	_ =	strace $0x8FFFFFFF  }
0x99: {  	s19 =	sld [smem:$0x3FDB];
	_ =	sdelay $0x1  }
0x9a: {  	s5 =	simm.s32 $_scs_section_size  }
0x9b: {  	s6 =	simm.s32 $_size__tile_overlayer_lowered;
	s7 =	simm.s32 $_tile_overlayer_lowered  }
0x9c: {  	s22 =	simm.s32 $0x1BFF;
	s21 =	sshll.u32 s7, $0x1;
	s4 =	sadd.s32 s5, s19  }
0x9d: {  	s8 =	simm.s32 $0x0;
	s20 =	sshll.u32 s6, $0x1;
	s6 =	sadd.s32 s21, s4  }
0x9e: {  	[timem:s8], [sflag:s22] =	dma.local [hbm:s6], s20  }
0x9f: {  	_ =	swait.ge [sflag:s22], s20  }
0xa0: {  	s5 =	ssub.s32 $0x0, s20;
	[sflag:s22] =	ssyncset.done $0x0  }
0xa1: {  	[sflag:s22] =	ssyncadd.s32 s5;
	_ =	sdelay $0x1  }
0xa2: {  	s23 =	simm.s32 $0x1B8B  }
0xa3: {  	_ =	swait.ge [sflag:s23], $0x1  }
0xa4: {  	[sflag:s23] =	ssyncset.done $0x0  }
0xa5: {  	s25 =	simm.s32 $0x1B8E;
	s24 =	sld [smem:$0x3FFE];
	[sflag:s23] =	ssyncadd.s32 $0xFFFFFFFF  }
0xa6: {  	s26 =	simm.s32 $execute0_lowered;
	[smem:$0x3FD2] =	sst s25  }
0xa7: {  	s6 =	sshll.u32 s26, $0x1;
	_ =	strace $0x80000046;
	[dreg:$0x1] =	wrdreg $0xFFFFFFFF  }
0xa8: {  	s28 =	simm.s32 $_size_execute0_lowered;
	s4 =	sadd.s32 s4, s6;
	[dreg:$0x0] =	wrdreg $0x0  }
0xa9: {  	s6 =	sshll.u32 s28, $0x1;
	[dreg:$0x2] =	wrdreg s4  }
0xaa: {  	[dreg:$0x3] =	wrdreg s6  }
0xab: {  	[dreg:$0x4] =	wrdreg $0xC0  }
0xac: {  	_ =	task [dreg:s8], $0x5FFFF  }
0xad: {  	[dreg:$0x1] =	wrdreg $0xFFFFFFFF  }
0xae: {  	[dreg:$0x0] =	wrdreg $0x60  }
0xaf: {  	[dreg:$0x2] =	wrdreg s2  }
0xb0: {  	[dreg:$0x3] =	wrdreg s18  }
0xb1: {  	[dreg:$0x4] =	wrdreg s24  }
0xb2: {  	[dreg:$0x5] =	wrdreg $0x38800  }
0xb3: {  	[dreg:$0x6] =	wrdreg $0x9  }
0xb4: {  	_ =	task.clear_ibuf [dreg:s8], $0x7FFFF;
	_ =	strace $0x90000046  }
0xb5: {  	s29 =	simm.s32 $0x9;
	_ =	strace $0x80000048  }
0xb6: {  	_ =	swait.ge [sflag:s29], $0x1  }
0xb7: {  	[sflag:s29] =	ssyncadd.s32 $0xFFFFFFFF  }
0xb8: {  	_ =	strace $0x90000048  }
0xb9: {  	_ =	sfence  }
0xba: {  	s30 =	sld [smem:$0x0];
	_ =	sdelay $0x2  }
0xbb: {  	s31 =	sshll.u32 s1, $0xD;
	s1 =	sshrl.u32 s1, $0x2  }
0xbc: {  	s3 =	sand.u32 $0x4000, s31;
	s1 =	sadd.s32 s1, s30  }
0xbd: {  	s0 =	sor.u32 s3, s0;
	s1 =	sshll.u32 s1, $0x11  }
0xbe: {  	s0 =	sor.u32 s1, s0  }
0xbf: {  	s0 =	sadd.s32 $0x8F2B, s0  }
0xc0: {  	[sflag:s0] =	ssyncadd.remote.s32 $0x1  }
0xc1: {  	_ =	sfence.sel $0xFFFF  }
0xc2: {  	[dreg:$0x0] =	wrdreg $0xFFFFFFFF;
	(pc) =	sbr.abs _section_cstart, $3  }
0xc3: {  	[dreg:$0x1] =	wrdreg $0xFFFFFFFF  }
0xc4: {  	_ =	task.clear_ibuf [dreg:s8], $0x2FFFF;
	_ =	strace $0x9FFFFFFF  }
0xc5: {  	(tm) =	ssettm $0x7FFFFFFF  }
tec
execute0_lowered:
.L_overlay_start_1:
0x0: {  	(tag) =	ssettag $0x1  }
0x1: {  	s8 =	rddreg [dreg:$0x0]  }
0x2: {  	s7 =	rddreg [dreg:$0x1];
	s1 =	srdreg.scid  }
0x3: {  	s0 =	stileid.u32;
	s4 =	rddreg [dreg:$0x2]  }
0x4: {  	s2 =	rddreg [dreg:$0x3];
	s3 =	simm.s32 $0x0;
	s13 =	simm.s32 $0x2  }
0x5: {  	s14 =	simm.s32 $0xFA0;
	s17 =	simm.s32 $0x0;
	s6 =	smul.u32 $0x1880, s0  }
0x6: {  	s5 =	sand.u32 $0x1, s1;
	s1 =	rddreg [dreg:$0x4];
	s11 =	smul.u32 $0x186A0, s0  }
0x7: {  	[smem:$0x7FF] =	sst s3;
	s15 =	sshll.u32 s0, $0x6;
	s9 =	smul.u32 $0x18800, s5  }
0x8: {  	s10 =	smul.u32 $0x186A00, s5;
	s5 =	ssub.s32 $0x2, s5;
	_ =	strace $0x80000047  }
0x9: {  	s15 =	sor.u32 $0x1C03, s15;
	s30 =	sshrl.u32 s5, $0x1;
	s9 =	sadd.s32 s6, s9  }
0xa: {  	s12 =	ssub.s32 s5, s30;
	s10 =	sadd.s32 s11, s10;
	s11 =	simm.s32 $0x1000  }
0xb: {  	s9 =	sshrl.u32 s9, $0x3;
	s31 =	sshrl.u32 s10, $0x3;
	s10 =	simm.s32 $0x3  }
0xc: {  	s9 =	sadd.s32 s9, s4;
	s4 =	sadd.s32 s6, s2;
	s6 =	smax.u32 s12, $0x1  }
0xd: {  	s7 =	sadd.s32 s31, s7;
	s8 =	sadd.s32 s31, s8;
	s12 =	simm.s32 $0x1  }
0xe: {  	v0 =	vimm.f32 $0.0e+00;
	s5 =	sadd.s32 $0xE00, s9;
	s9 =	simm.s32 $0x2000;
	s16 =	sshrl.u32 s4, $0x3  }
.LBB2_1:
0xf: {  	s18 =	simm.s32 $0x40;
	s19 =	simm.s32 $0x0  }
.LBB2_2:
0x10: {  	p0 =	sne.s32 s18, $0x61C0;
	[tilespmem:s19+$0x2000] =	vst v0;
	s19 =	smov.u32 s18;
	s18 =	sadd.s32 $0x40, s18  }
.Ltmp0:
0x11: {  	(pc) =	sbr.rel @p0 .LBB2_2-.Ltmp0, $2  }
0x12: {  	_ =	sdelay $0x2  }
0x13: {  	s19 =	sshra.s32 s19, $0x2  }
0x14: {  	[tilespmem:s19+$0x2000] =	vst v0  }
0x15: {  	[spmem:s4] =	stream.linear.scatter [tilespmem:s9], [sflag:$0x3], $0x1880, $0x38;
	[tilespmem:$0x5100] =	vst v63  }
0x16: {  	_ =	swait.ge [sflag:s10], $0x1880  }
0x17: {  	[sflag:s10] =	ssyncset.done $0x0  }
0x18: {  	[sflag:s10] =	ssyncadd.s32 $0xFFFFE780  }
0x19: {  	s18 =	sadd.s32 $0x0, s8;
	[bflag:$0x0] =	sbarrier.arrive $0xFFFF  }
0x1a: {  	[tilespmem:s3], [sflag:$0x1] =	stream.linear.gather [hbm4b:s18+s3], $0xFA0, $0x38;
	[tilespmem:$0x5100] =	vst v63  }
0x1b: {  	s31 =	sadd.s32 $0x0, s7  }
0x1c: {  	[tilespmem:s11], [sflag:$0x2] =	stream.linear.gather [hbm4b:s31+s3], $0xFA0, $0x38;
	[tilespmem:$0x5100] =	vst v63  }
0x1d: {  	_ =	swait.ge [sflag:s12], $0xFA0  }
0x1e: {  	[sflag:s12] =	ssyncset.done $0x0  }
0x1f: {  	[sflag:s12] =	ssyncadd.s32 $0xFFFFF060  }
0x20: {  	_ =	swait.ge [sflag:s13], $0xFA0  }
0x21: {  	[sflag:s13] =	ssyncset.done $0x0  }
0x22: {  	[sflag:s13] =	ssyncadd.s32 $0xFFFFF060  }
0x23: {  	[spmem:s2] =	stream.indirect.scatter.add.f32 [tilespmem:s11], [sflag:$0x3], $0x1, s3, s14, $0xb8;
	[tilespmem:$0x5100] =	vst v63  }
0x24: {  	_ =	swait.ge [sflag:s10], $0xFA0  }
0x25: {  	s19 =	simm.s32 $0x3E8;
	s18 =	simm.s32 $0x1F4;
	[sflag:s10] =	ssyncset.done $0x0  }
.LBB2_4:
0x26: {  	s20 =	sadd.s32 s18, s8  }
0x27: {  	[sflag:s10] =	ssyncadd.s32 $0xFFFFF060;
	s21 =	smov.u32 s19;
	s22 =	sadd.s32 $0x1F4, s19  }
0x28: {  	[tilespmem:s3], [sflag:$0x1] =	stream.linear.gather [hbm4b:s20+s3], $0xFA0, $0x38;
	[tilespmem:$0x5100] =	vst v63  }
0x29: {  	p0 =	sne.s32 s19, $0x2EE0;
	s19 =	sadd.s32 s18, s7;
	s18 =	smov.u32 s21  }
0x2a: {  	[tilespmem:s11], [sflag:$0x2] =	stream.linear.gather [hbm4b:s19+s3], $0xFA0, $0x38;
	[tilespmem:$0x5100] =	vst v63  }
0x2b: {  	_ =	swait.ge [sflag:s12], $0xFA0  }
0x2c: {  	[sflag:s12] =	ssyncset.done $0x0  }
0x2d: {  	[sflag:s12] =	ssyncadd.s32 $0xFFFFF060  }
0x2e: {  	_ =	swait.ge [sflag:s13], $0xFA0  }
.Ltmp1:
0x2f: {  	[sflag:s13] =	ssyncset.done $0x0;
	(pc) =	sbr.rel @p0 .LBB2_4-.Ltmp1, $4  }
0x30: {  	[sflag:s13] =	ssyncadd.s32 $0xFFFFF060  }
0x31: {  	[spmem:s2] =	stream.indirect.scatter.add.f32 [tilespmem:s11], [sflag:$0x3], $0x1, s3, s14, $0xb8;
	[tilespmem:$0x5100] =	vst v63  }
0x32: {  	_ =	swait.ge [sflag:s10], $0xFA0  }
0x33: {  	s19 =	smov.u32 s22;
	[sflag:s10] =	ssyncset.done $0x0  }
0x34: {  	s19 =	sadd.s32 s18, s8;
	[sflag:s10] =	ssyncadd.s32 $0xFFFFF060  }
0x35: {  	[tilespmem:s3], [sflag:$0x1] =	stream.linear.gather [hbm4b:s19+s3], $0xFA0, $0x38;
	[tilespmem:$0x5100] =	vst v63  }
0x36: {  	s31 =	sadd.s32 s18, s7  }
0x37: {  	[tilespmem:s11], [sflag:$0x2] =	stream.linear.gather [hbm4b:s31+s3], $0xFA0, $0x38;
	[tilespmem:$0x5100] =	vst v63  }
0x38: {  	_ =	swait.ge [sflag:s12], $0xFA0  }
0x39: {  	[sflag:s12] =	ssyncset.done $0x0  }
0x3a: {  	[sflag:s12] =	ssyncadd.s32 $0xFFFFF060  }
0x3b: {  	_ =	swait.ge [sflag:s13], $0xFA0  }
0x3c: {  	[sflag:s13] =	ssyncset.done $0x0  }
0x3d: {  	[sflag:s13] =	ssyncadd.s32 $0xFFFFF060  }
0x3e: {  	[spmem:s2] =	stream.indirect.scatter.add.f32 [tilespmem:s11], [sflag:$0x3], $0x1, s3, s14, $0xb8;
	[tilespmem:$0x5100] =	vst v63  }
0x3f: {  	_ =	swait.ge [sflag:s10], $0xFA0  }
0x40: {  	s17 =	sadd.s32 $0x1, s17;
	[sflag:s10] =	ssyncset.done $0x0  }
0x41: {  	p0 =	sne.s32 s17, s6;
	[sflag:s10] =	ssyncadd.s32 $0xFFFFF060  }
.Ltmp2:
0x42: {  	[bflag:$0x0] =	sbarrier.arrive $0xFFFF;
	(pc) =	sbr.rel @p0 .LBB2_1-.Ltmp2, $4  }
0x43: {  	[hbm:s5], [sflag:s15] =	dma.local [spmem:s16], $0x310  }
0x44: {  	_ =	swait.ge [sflag:s10], $0x310  }
0x45: {  	[sflag:s10] =	ssyncset.done $0x0  }
0x46: {  	[sflag:s10] =	ssyncadd.s32 $0xFFFFFCF0  }
0x47: {  	_ =	sfence.sel $0x180000  }
0x48: {  	[bflag:$0x0] =	sbarrier.arrive $0xFFFF  }
0x49: {  	p0 =	sne.s32 s0, $0x0;
	_ =	strace $0x90000047  }
0x4a: {  	s0 =	sadd.s32 @!p0 $0x100000, s1;
	[bflag:$0x2] =	sbarrier.arrive $0xFFFF  }
0x4b: {  	[sflag:s0] =	ssyncadd.tile.s32 @!p0 $0x1;
	_ =	shalt  }
.Lfunc_end2:
_tile_overlayer_lowered:
.L_overlay_start_2:
0x4c: {  	(tag) =	ssettag $0x2  }
0x4d: {  	s0 =	rddreg [dreg:$0x0];
	s2 =	stileid.u32  }
0x4e: {  	s1 =	rddreg [dreg:$0x1];
	p0 =	sne.s32 s2, $0x0  }
0x4f: {  	s3 =	rddreg [dreg:$0x2];
	[bflag:$0x3] =	sbarrier.arrive $0xFFFF;
	s2 =	simm.s32 @!p0 $0x1C03  }
0x50: {  	[timem:s3], [sflag:s2] =	dma.local @!p0 [hbm:s0], s1  }
0x51: {  	s0 =	simm.s32 @!p0 $0x3  }
0x52: {  	_ =	swait.ge @!p0 [sflag:s0], s1  }
0x53: {  	s1 =	ssub.s32 @!p0 $0x0, s1;
	[sflag:s0] =	ssyncset.done @!p0 $0x0  }
0x54: {  	[sflag:s0] =	ssyncadd.s32 @!p0 s1  }
0x55: {  	[bflag:$0x3] =	sbarrier.arrive $0xFFFF  }
0x56: {  	_ =	shalt  }

// kernel: kernel.7.cloned.1.call-start
scs
__scs_entry_jumppad:
0x0: {  	(pc) =	sbr.rel $0x88, $3  }
0x1: {  	(tag) =	ssettag $0x0;
	lr =	simm.s32 $0x1  }
0x2: {  	[smem:$0x3F9D] =	sst lr;
	_ =	strace $0xD0000000  }
0x3: {  	_ = 	snop  }
0x4: {  	_ = 	snop  }
0x5: {  	_ = 	snop  }
0x6: {  	_ = 	snop  }
0x7: {  	_ = 	snop  }
__scs_overlays_trampoline_lowered:
0x8: {  	[smem:$0x3FAC] =	sst s0  }
0x9: {  	[smem:$0x3FAD] =	sst s1  }
0xa: {  	[smem:$0x3FAE] =	sst s2  }
0xb: {  	[smem:$0x3FAF] =	sst s3  }
0xc: {  	[smem:$0x3FB0] =	sst s4  }
0xd: {  	[smem:$0x3FB1] =	sst s5  }
0xe: {  	[smem:$0x3FB2] =	sst s6  }
0xf: {  	[smem:$0x3FB3] =	sst s7  }
0x10: {  	[smem:$0x3FB4] =	sst s8  }
0x11: {  	[smem:$0x3FB5] =	sst s9;
	s0 =	simm.s32 @!p0 $0x0  }
0x12: {  	s1 =	sld [smem:$0x3F9B];
	s0 =	simm.s32 @p0 $0x1  }
0x13: {  	[smem:$0x3FB6] =	sst s0;
	s0 =	simm.s32 @!p1 $0x0  }
0x14: {  	s2 =	sld [smem:$0x3F9A];
	s0 =	simm.s32 @p1 $0x1  }
0x15: {  	[smem:$0x3FB7] =	sst s0;
	s0 =	simm.s32 @!p2 $0x0  }
0x16: {  	s3 =	sld [smem:$0x3FDB];
	s0 =	simm.s32 @p2 $0x1  }
0x17: {  	s4 =	simm.s32 $0x1BF5;
	[smem:$0x3FB9] =	sst s0  }
0x18: {  	s0 =	sld [smem:$0x3F9C];
	_ =	swait.ge [sflag:s4], $0x0  }
0x19: {  	s7 =	sld [smem:$0x3F9D]  }
0x1a: {  	s8 =	sadd.s32 $0xFFFFE003, lr  }
0x1b: {  	s9 =	sadd.s32 $0xFFFFFEF7, lr;
	s5 =	simm.s32 $0xFFFFFFFF;
	p2 =	slt.u32 s8, $0xFFFFF086  }
0x1c: {  	p1 =	slt.u32 s9, $0xF7A;
	s5 =	simm.s32 @!p2 $0x0  }
0x1d: {  	s5 =	simm.s32 @p1 $0x1;
	p0 =	seq.s32 s7, s2  }
0x1e: {  	s7 =	smul.u32 @!p0 $0xF7A, s2;
	p2 =	seq.s32 @!p0 s5, $0x0  }
0x1f: {  	s9 =	smul.u32 $0xF7A, s1;
	s8 =	simm.s32 @!p0 $0x1BF5;
	p2 =	por !p2, p0  }
0x20: {  	[sflag:s8] =	ssyncset.s32 @!p0 $0xFFFFF086;
	s6 =	sadd.s32 @!p0 s3, s7;
	s7 =	simm.s32 @!p0 $0x108  }
0x21: {  	s3 =	sadd.s32 s3, s9;
	s6 =	sadd.s32 @!p0 $0x88, s6;
	s7 =	simm.s32 @p2 $0x1082  }
0x22: {  	[simem:s7], [sflag:s8] =	dma.local @!p0 [hbm:s6], $0xF7A  }
0x23: {  	s9 =	sor.u32 $0xD0000000, s2;
	s6 =	simm.s32 $0x108;
	_ =	swait.ge @!p0 [sflag:s8], $0x0  }
0x24: {  	s3 =	sadd.s32 $0x88, s3;
	s6 =	simm.s32 @!p1 $0x1082;
	[sflag:s4] =	ssyncset.s32 $0xFFFFF086  }
0x25: {  	[simem:s6], [sflag:s4] =	dma.local [hbm:s3], $0xF7A  }
0x26: {  	[smem:$0x3F9D] =	sst s1;
	(tag) =	ssettag s2;
	_ =	strace s9  }
0x27: {  	s1 =	sld [smem:$0x3FAD]  }
0x28: {  	s2 =	sld [smem:$0x3FAE]  }
0x29: {  	s4 =	sld [smem:$0x3FB0]  }
0x2a: {  	p0 =	seq.s32 s5, $0x0;
	s5 =	sld [smem:$0x3FB1]  }
0x2b: {  	s6 =	sld [smem:$0x3FB2]  }
0x2c: {  	s7 =	sld [smem:$0x3FB3]  }
0x2d: {  	s3 =	simm.s32 $0x108;
	s8 =	sld [smem:$0x3FB4]  }
0x2e: {  	s3 =	simm.s32 @!p0 $0x1082;
	s9 =	sld [smem:$0x3FB5]  }
0x2f: {  	lr =	sadd.s32 s0, s3;
	s0 =	sld [smem:$0x3FAC]  }
0x30: {  	s3 =	sld [smem:$0x3FAF]  }
0x31: {  	[smem:$0x3FB8] =	sst s10  }
0x32: {  	s10 =	sld [smem:$0x3FB6];
	_ =	sdelay $0x3  }
0x33: {  	p0 =	seq.s32 s10, $0x1;
	s10 =	sld [smem:$0x3FB8];
	_ =	sdelay $0x3  }
0x34: {  	[smem:$0x3FB8] =	sst s10  }
0x35: {  	s10 =	sld [smem:$0x3FB7];
	_ =	sdelay $0x3  }
0x36: {  	p1 =	seq.s32 s10, $0x1;
	s10 =	sld [smem:$0x3FB8];
	_ =	sdelay $0x3  }
0x37: {  	[smem:$0x3FB8] =	sst s10  }
0x38: {  	s10 =	sld [smem:$0x3FB9]  }
0x39: {  	_ = 	snop;
	(pc) =	sbr.ind lr, $3  }
0x3a: {  	_ = 	snop  }
0x3b: {  	_ = 	snop  }
0x3c: {  	p2 =	seq.s32 s10, $0x1;
	s10 =	sld [smem:$0x3FB8]  }
0x3d: {  	_ =	shalt  }
0x3e: {  	_ =	shalt  }
0x3f: {  	_ =	shalt  }
0x40: {  	_ =	shalt  }
0x41: {  	_ =	shalt  }
0x42: {  	_ =	shalt  }
0x43: {  	_ =	shalt  }
0x44: {  	_ =	shalt  }
0x45: {  	_ =	shalt  }
0x46: {  	_ =	shalt  }
0x47: {  	_ =	shalt  }
0x48: {  	_ =	shalt  }
0x49: {  	_ =	shalt  }
0x4a: {  	_ =	shalt  }
0x4b: {  	_ =	shalt  }
0x4c: {  	_ =	shalt  }
0x4d: {  	_ =	shalt  }
0x4e: {  	_ =	shalt  }
0x4f: {  	_ =	shalt  }
0x50: {  	_ =	shalt  }
0x51: {  	_ =	shalt  }
0x52: {  	_ =	shalt  }
0x53: {  	_ =	shalt  }
0x54: {  	_ =	shalt  }
0x55: {  	_ =	shalt  }
0x56: {  	_ =	shalt  }
0x57: {  	_ =	shalt  }
0x58: {  	_ =	shalt  }
0x59: {  	_ =	shalt  }
0x5a: {  	_ =	shalt  }
0x5b: {  	_ =	shalt  }
0x5c: {  	_ =	shalt  }
0x5d: {  	_ =	shalt  }
0x5e: {  	_ =	shalt  }
0x5f: {  	_ =	shalt  }
0x60: {  	_ =	shalt  }
0x61: {  	_ =	shalt  }
0x62: {  	_ =	shalt  }
0x63: {  	_ =	shalt  }
0x64: {  	_ =	shalt  }
0x65: {  	_ =	shalt  }
0x66: {  	_ =	shalt  }
0x67: {  	_ =	shalt  }
0x68: {  	_ =	shalt  }
0x69: {  	_ =	shalt  }
0x6a: {  	_ =	shalt  }
0x6b: {  	_ =	shalt  }
0x6c: {  	_ =	shalt  }
0x6d: {  	_ =	shalt  }
0x6e: {  	_ =	shalt  }
0x6f: {  	_ =	shalt  }
0x70: {  	_ =	shalt  }
0x71: {  	_ =	shalt  }
0x72: {  	_ =	shalt  }
0x73: {  	_ =	shalt  }
0x74: {  	_ =	shalt  }
0x75: {  	_ =	shalt  }
0x76: {  	_ =	shalt  }
0x77: {  	_ =	shalt  }
0x78: {  	_ =	shalt  }
0x79: {  	_ =	shalt  }
0x7a: {  	_ =	shalt  }
0x7b: {  	_ =	shalt  }
0x7c: {  	_ =	shalt  }
0x7d: {  	_ =	shalt  }
0x7e: {  	_ =	shalt  }
0x7f: {  	_ =	shalt  }
0x80: {  	_ =	shalt  }
0x81: {  	_ =	shalt  }
0x82: {  	_ =	shalt  }
0x83: {  	_ =	shalt  }
0x84: {  	_ =	shalt  }
0x85: {  	_ =	shalt  }
0x86: {  	_ =	shalt  }
0x87: {  	_ =	shalt  }
.Lfunc_end0:
.L_simem_size_0:
called_computation.1_lowered:
.L_overlay_start_0:
0x88: {  	s2 =	sld [smem:$0x3FD9]  }
0x89: {  	s3 =	sld [smem:$0x3FFE];
	_ =	sdelay $0x1  }
0x8a: {  	s1 =	srdreg.scid  }
0x8b: {  	s0 =	sand.u32 $0x1, s1  }
0x8c: {  	s14 =	sshll.u32 s0, $0xA;
	s2 =	sadd.s32 s3, s2  }
0x8d: {  	s2 =	sadd.s32 s2, s14  }
0x8e: {  	[smem:$0x3FC4] =	sst s2  }
0x8f: {  	_ = 	snop  }
0x90: {  	s2 =	sld [smem:$0x3FD0];
	_ =	sdelay $0x1  }
0x91: {  	s15 =	sld [smem:$0x3FC9]  }
0x92: {  	s5 =	simm.s32 $0xA;
	s6 =	simm.s32 $0x10;
	s4 =	sld [smem:$0x3FC8]  }
0x93: {  	[smem:s6], [sflag:s5] =	dma.local [hbm:s2], $0x1  }
0x94: {  	_ =	swait.eq [sflag:s5], $0x1  }
0x95: {  	[sflag:s5] =	ssyncset.done $0x0  }
0x96: {  	s16 =	sld [smem:$0x10];
	[sflag:s5] =	ssyncadd.s32 $0xFFFFFFFF  }
0x97: {  	s17 =	sld [smem:$0x11];
	(tm) =	ssettm $0x1  }
0x98: {  	s18 =	sld [smem:$0x3FFB];
	_ =	sdelay $0x3  }
0x99: {  	_ =	strace s18  }
0x9a: {  	s6 =	sld [smem:$0x3FFC];
	_ =	sdelay $0x3  }
0x9b: {  	_ =	strace s6  }
0x9c: {  	s6 =	sld [smem:$0x3FFD];
	_ =	sdelay $0x3  }
0x9d: {  	_ =	strace s6  }
0x9e: {  	_ =	strace $0x8FFFFFFF  }
0x9f: {  	s19 =	sld [smem:$0x3FDB];
	_ =	sdelay $0x1  }
0xa0: {  	s7 =	simm.s32 $_scs_section_size  }
0xa1: {  	s8 =	simm.s32 $_size__tile_overlayer_lowered;
	s9 =	simm.s32 $_tile_overlayer_lowered  }
0xa2: {  	s22 =	simm.s32 $0x1BFF;
	s21 =	sshll.u32 s9, $0x1;
	s6 =	sadd.s32 s7, s19  }
0xa3: {  	s10 =	simm.s32 $0x0;
	s20 =	sshll.u32 s8, $0x1;
	s8 =	sadd.s32 s21, s6  }
0xa4: {  	[timem:s10], [sflag:s22] =	dma.local [hbm:s8], s20  }
0xa5: {  	_ =	swait.ge [sflag:s22], s20  }
0xa6: {  	s7 =	ssub.s32 $0x0, s20;
	[sflag:s22] =	ssyncset.done $0x0  }
0xa7: {  	[sflag:s22] =	ssyncadd.s32 s7;
	_ =	sdelay $0x1  }
0xa8: {  	s23 =	simm.s32 $0x1B8B  }
0xa9: {  	_ =	swait.ge [sflag:s23], $0x1  }
0xaa: {  	[sflag:s23] =	ssyncset.done $0x0  }
0xab: {  	s25 =	simm.s32 $0x1B8E;
	s24 =	sld [smem:$0x3FFE];
	[sflag:s23] =	ssyncadd.s32 $0xFFFFFFFF  }
0xac: {  	s26 =	simm.s32 $execute0_lowered;
	[smem:$0x3FD2] =	sst s25  }
0xad: {  	s8 =	sshll.u32 s26, $0x1;
	_ =	strace $0x80000049;
	[dreg:$0x1] =	wrdreg $0xFFFFFFFF  }
0xae: {  	s28 =	simm.s32 $_size_execute0_lowered;
	s6 =	sadd.s32 s6, s8;
	[dreg:$0x0] =	wrdreg $0x0  }
0xaf: {  	s8 =	sshll.u32 s28, $0x1;
	[dreg:$0x2] =	wrdreg s6  }
0xb0: {  	[dreg:$0x3] =	wrdreg s8  }
0xb1: {  	[dreg:$0x4] =	wrdreg $0xC0  }
0xb2: {  	_ =	task [dreg:s10], $0x5FFFF  }
0xb3: {  	[dreg:$0x1] =	wrdreg $0xFFFFFFFF  }
0xb4: {  	[dreg:$0x0] =	wrdreg $0x60  }
0xb5: {  	[dreg:$0x2] =	wrdreg s24  }
0xb6: {  	[dreg:$0x3] =	wrdreg s4  }
0xb7: {  	[dreg:$0x4] =	wrdreg s15  }
0xb8: {  	[dreg:$0x5] =	wrdreg s16  }
0xb9: {  	[dreg:$0x6] =	wrdreg s17  }
0xba: {  	[dreg:$0x7] =	wrdreg $0x1BA000  }
0xbb: {  	[dreg:$0x8] =	wrdreg $0x1D2800  }
0xbc: {  	[dreg:$0x9] =	wrdreg $0x9  }
0xbd: {  	_ =	task.clear_ibuf [dreg:s10], $0xAFFFF;
	_ =	strace $0x90000049  }
0xbe: {  	s29 =	simm.s32 $0x9;
	_ =	strace $0x8000004B  }
0xbf: {  	_ =	swait.ge [sflag:s29], $0x1  }
0xc0: {  	[sflag:s29] =	ssyncadd.s32 $0xFFFFFFFF  }
0xc1: {  	_ =	strace $0x9000004B  }
0xc2: {  	_ =	sfence  }
0xc3: {  	s30 =	sld [smem:$0x0];
	_ =	sdelay $0x2  }
0xc4: {  	s31 =	sshll.u32 s1, $0xD;
	s1 =	sshrl.u32 s1, $0x2  }
0xc5: {  	s3 =	sand.u32 $0x4000, s31;
	s1 =	sadd.s32 s1, s30  }
0xc6: {  	s0 =	sor.u32 s3, s0;
	s1 =	sshll.u32 s1, $0x11  }
0xc7: {  	s0 =	sor.u32 s1, s0  }
0xc8: {  	s0 =	sadd.s32 $0x8F2B, s0  }
0xc9: {  	[sflag:s0] =	ssyncadd.remote.s32 $0x1  }
0xca: {  	_ =	sfence.sel $0xFFFF  }
0xcb: {  	[dreg:$0x0] =	wrdreg $0xFFFFFFFF;
	(pc) =	sbr.abs _section_cstart, $3  }
0xcc: {  	[dreg:$0x1] =	wrdreg $0xFFFFFFFF  }
0xcd: {  	_ =	task.clear_ibuf [dreg:s10], $0x2FFFF;
	_ =	strace $0x9FFFFFFF  }
0xce: {  	(tm) =	ssettm $0x7FFFFFFF  }
0xcf: {  	_ =	shalt  }
tec
execute0_lowered:
.L_overlay_start_1:
0x0: {  	(tag) =	ssettag $0x1  }
0x1: {  	s0 =	rddreg [dreg:$0x0]  }
0x2: {  	s1 =	rddreg [dreg:$0x1]  }
0x3: {  	s2 =	rddreg [dreg:$0x2]  }
0x4: {  	s3 =	rddreg [dreg:$0x3]  }
0x5: {  	s4 =	rddreg [dreg:$0x4]  }
0x6: {  	s15 =	rddreg [dreg:$0x5]  }
0x7: {  	s7 =	rddreg [dreg:$0x6];
	s8 =	simm.s32 $0x0;
	s5 =	srdreg.scid  }
0x8: {  	s16 =	stileid.u32;
	[smem:$0x7FF] =	sst s8;
	s5 =	sand.u32 $0x1, s5  }
0x9: {  	s6 =	smul.u32 $0x1880, s16;
	s10 =	sadd.s32 $0xE00, s0;
	s0 =	sadd.s32 $0x7000, s0  }
0xa: {  	_ =	strace $0x8000004A;
	s9 =	ssub.s32 $0x2, s5;
	s22 =	sshll.u32 s5, $0x4  }
0xb: {  	s5 =	simm.s32 $0x1;
	s11 =	sshrl.u32 s9, $0x1;
	s12 =	sshrl.u32 s6, $0x3  }
0xc: {  	s13 =	sadd.s32 $0x620, s6;
	s25 =	sadd.s32 s6, s15;
	s14 =	sadd.s32 s6, s7  }
0xd: {  	s18 =	sadd.s32 $0xC40, s6;
	s11 =	ssub.s32 s9, s11;
	[dreg:$0x9] =	wrdreg s25  }
0xe: {  	s9 =	sadd.s32 s10, s12;
	s12 =	sadd.s32 s0, s12;
	[dreg:$0xa] =	wrdreg s14  }
0xf: {  	s6 =	sadd.s32 $0x1260, s6;
	s17 =	sadd.s32 s13, s15;
	[dreg:$0x8] =	wrdreg s12  }
0x10: {  	s26 =	sshrl.u32 s13, $0x3;
	s13 =	sadd.s32 s13, s7;
	[dreg:$0xd] =	wrdreg s17  }
0x11: {  	s19 =	sshrl.u32 s18, $0x3;
	s21 =	sadd.s32 s18, s15;
	[dreg:$0xe] =	wrdreg s13  }
0x12: {  	s20 =	sshrl.u32 s6, $0x3;
	s23 =	sadd.s32 s18, s7;
	[dreg:$0x13] =	wrdreg s21  }
0x13: {  	s24 =	sadd.s32 s6, s15;
	s25 =	sadd.s32 s6, s7;
	[dreg:$0x14] =	wrdreg s23  }
0x14: {  	s6 =	simm.s32 $0xD00;
	s14 =	simm.s32 $0x4;
	[dreg:$0x15] =	wrdreg s24  }
0x15: {  	s15 =	simm.s32 $0x3200;
	s28 =	sadd.s32 s10, s26;
	[dreg:$0x16] =	wrdreg s25  }
0x16: {  	s18 =	simm.s32 $0x2A00;
	s12 =	sadd.s32 s0, s26;
	[dreg:$0xb] =	wrdreg s28  }
0x17: {  	s17 =	sadd.s32 s10, s19;
	s13 =	sadd.s32 s0, s19;
	[dreg:$0xc] =	wrdreg s12  }
0x18: {  	s10 =	sadd.s32 s10, s20;
	s0 =	sadd.s32 s0, s20;
	[dreg:$0xf] =	wrdreg s17  }
0x19: {  	s26 =	smax.u32 s11, $0x1;
	s29 =	sadd.s32 $0x31C4, s9;
	[dreg:$0x10] =	wrdreg s13  }
0x1a: {  	s30 =	sadd.s32 $0x3288, s9;
	s31 =	sadd.s32 $0x334C, s9;
	[dreg:$0x11] =	wrdreg s10  }
0x1b: {  	s11 =	simm.s32 $0x3;
	s19 =	simm.s32 $0x2200;
	[dreg:$0x12] =	wrdreg s0  }
0x1c: {  	s20 =	simm.s32 $0x0;
	s0 =	sor.u32 s16, s22;
	[dreg:$0x17] =	wrdreg s26  }
0x1d: {  	s28 =	sadd.s32 $0x3100, s9;
	s10 =	simm.s32 $0x2;
	s12 =	simm.s32 $0x620  }
0x1e: {  	s13 =	simm.s32 $0x1380;
	s16 =	simm.s32 $0x1A00;
	s17 =	simm.s32 $0x7D0  }
0x1f: {  	s25 =	smul.u32 $0x186A0, s0;
	[dreg:$0x18] =	wrdreg s28;
	s0 =	simm.s32 $0x680  }
.LBB2_1:
0x20: {  	[tilespmem:s8], [sflag:$0x1] =	stream.linear.gather [hbm4b:s9+s8], $0x620, $0x38;
	[tilespmem:$0x1EB00] =	vst v63  }
0x21: {  	s21 =	rddreg [dreg:$0x18]  }
0x22: {  	[tilespmem:s0], [sflag:$0x2] =	stream.linear.gather [hbm4b:s21+s8], $0x620, $0x38;
	[tilespmem:$0x1EB00] =	vst v63  }
0x23: {  	s28 =	rddreg [dreg:$0x8]  }
0x24: {  	[tilespmem:s6], [sflag:$0x3] =	stream.linear.gather [hbm4b:s28+s8], $0x620, $0x38;
	[tilespmem:$0x1EB00] =	vst v63  }
0x25: {  	_ =	swait.ge [sflag:s5], $0x620  }
0x26: {  	[sflag:s5] =	ssyncset.done $0x0  }
0x27: {  	[sflag:s5] =	ssyncadd.s32 $0xFFFFF9E0  }
0x28: {  	_ =	swait.ge [sflag:s10], $0x620  }
0x29: {  	[sflag:s10] =	ssyncset.done $0x0  }
0x2a: {  	[sflag:s10] =	ssyncadd.s32 $0xFFFFF9E0  }
0x2b: {  	_ =	swait.ge [sflag:s11], $0x620  }
0x2c: {  	[sflag:s11] =	ssyncset.done $0x0  }
0x2d: {  	[sflag:s11] =	ssyncadd.s32 $0xFFFFF9E0  }
0x2e: {  	[tilespmem:s13], [sflag:$0x1] =	stream.indirect.gather [hbm4b:s1+s12], $0x1, s6, s12, $0xb8;
	[tilespmem:$0x1EB00] =	vst v63  }
0x2f: {  	_ =	swait.ge [sflag:s5], $0x620  }
0x30: {  	[sflag:s5] =	ssyncset.done $0x0  }
0x31: {  	s21 =	simm.s32 $0x0;
	[sflag:s5] =	ssyncadd.s32 $0xFFFFF9E0  }
0x32: {  	v0 =	vld [tilespmem:s21+$0x680]  }
0x33: {  	v1 =	vld [tilespmem:s21+$0x0];
	_ =	sdelay $0x1  }
0x34: {  	v2 =	vld [tilespmem:s21+$0x1380];
	_ =	sdelay $0x2  }
0x35: {  	v1 =	vadd.f32 v0, v1  }
0x36: {  	s22 =	simm.s32 $0x10  }
0x37: {  	s23 =	simm.s32 $0x80;
	v0 =	vld [tilespmem:s22+$0x680];
	[tilespmem:s21+$0x0] =	vst v1;
	v1 =	vmul.f32 v2, v1  }
.LBB2_2:
0x38: {  	p0 =	sne.s32 s23, $0x1840;
	v2 =	vld [tilespmem:s22+$0x0]  }
0x39: {  	[tilespmem:s21+$0x1380] =	vst v1;
	s21 =	smov.u32 s22  }
0x3a: {  	v1 =	vld [tilespmem:s21+$0x1380]  }
.Ltmp0:
0x3b: {  	(pc) =	sbr.rel @p0 .LBB2_2-.Ltmp0, $4  }
0x3c: {  	_ = 	snop  }
0x3d: {  	v2 =	vadd.f32 v0, v2  }
0x3e: {  	s22 =	sshra.s32 s23, $0x2  }
0x3f: {  	s23 =	sadd.s32 $0x40, s23;
	v0 =	vld [tilespmem:s22+$0x680];
	[tilespmem:s21+$0x0] =	vst v2;
	v1 =	vmul.f32 v1, v2  }
0x40: {  	v2 =	vld [tilespmem:s22+$0x0]  }
0x41: {  	[tilespmem:s21+$0x1380] =	vst v1  }
0x42: {  	v1 =	vld [tilespmem:s22+$0x1380];
	_ =	sdelay $0x2  }
0x43: {  	v0 =	vadd.f32 v0, v2;
	_ =	sdelay $0x1  }
0x44: {  	v1 =	vmul.f32 v1, v0  }
0x45: {  	[tilespmem:s22+$0x0] =	vst v0  }
0x46: {  	s23 =	rddreg [dreg:$0x9];
	s21 =	simm.s32 $0x0;
	[tilespmem:s22+$0x1380] =	vst v1  }
0x47: {  	[spmem:s23] =	stream.linear.scatter [tilespmem:s21], [sflag:$0x4], $0x620, $0x38;
	[tilespmem:$0x1EB00] =	vst v63  }
0x48: {  	_ =	swait.ge [sflag:s14], $0x620  }
0x49: {  	[sflag:s14] =	ssyncset.done $0x0  }
0x4a: {  	s24 =	rddreg [dreg:$0xa];
	[sflag:s14] =	ssyncadd.s32 $0xFFFFF9E0  }
0x4b: {  	[spmem:s24] =	stream.linear.scatter [tilespmem:s13], [sflag:$0x4], $0x620, $0x38;
	[tilespmem:$0x1EB00] =	vst v63  }
0x4c: {  	_ =	swait.ge [sflag:s14], $0x620  }
0x4d: {  	[sflag:s14] =	ssyncset.done $0x0  }
0x4e: {  	s26 =	rddreg [dreg:$0xb];
	[sflag:s14] =	ssyncadd.s32 $0xFFFFF9E0  }
0x4f: {  	[tilespmem:s21], [sflag:$0x1] =	stream.linear.gather [hbm4b:s26+s21], $0x620, $0x38;
	[tilespmem:$0x1EB00] =	vst v63  }
0x50: {  	_ = 	snop  }
0x51: {  	[tilespmem:s0], [sflag:$0x2] =	stream.linear.gather [hbm4b:s29+s21], $0x620, $0x38;
	[tilespmem:$0x1EB00] =	vst v63  }
0x52: {  	s28 =	rddreg [dreg:$0xc]  }
0x53: {  	[tilespmem:s6], [sflag:$0x3] =	stream.linear.gather [hbm4b:s28+s21], $0x620, $0x38;
	[tilespmem:$0x1EB00] =	vst v63  }
0x54: {  	_ =	swait.ge [sflag:s5], $0x620  }
0x55: {  	[sflag:s5] =	ssyncset.done $0x0  }
0x56: {  	[sflag:s5] =	ssyncadd.s32 $0xFFFFF9E0  }
0x57: {  	_ =	swait.ge [sflag:s10], $0x620  }
0x58: {  	[sflag:s10] =	ssyncset.done $0x0  }
0x59: {  	[sflag:s10] =	ssyncadd.s32 $0xFFFFF9E0  }
0x5a: {  	_ =	swait.ge [sflag:s11], $0x620  }
0x5b: {  	[sflag:s11] =	ssyncset.done $0x0  }
0x5c: {  	[sflag:s11] =	ssyncadd.s32 $0xFFFFF9E0  }
0x5d: {  	[tilespmem:s13], [sflag:$0x1] =	stream.indirect.gather [hbm4b:s1+s12], $0x1, s6, s12, $0xb8;
	[tilespmem:$0x1EB00] =	vst v63  }
0x5e: {  	_ =	swait.ge [sflag:s5], $0x620  }
0x5f: {  	[sflag:s5] =	ssyncset.done $0x0  }
0x60: {  	s21 =	simm.s32 $0x0;
	[sflag:s5] =	ssyncadd.s32 $0xFFFFF9E0  }
0x61: {  	v0 =	vld [tilespmem:s21+$0x680]  }
0x62: {  	v1 =	vld [tilespmem:s21+$0x0];
	_ =	sdelay $0x1  }
0x63: {  	v2 =	vld [tilespmem:s21+$0x1380];
	_ =	sdelay $0x2  }
0x64: {  	v1 =	vadd.f32 v0, v1  }
0x65: {  	s22 =	simm.s32 $0x10  }
0x66: {  	s23 =	simm.s32 $0x80;
	v0 =	vld [tilespmem:s22+$0x680];
	[tilespmem:s21+$0x0] =	vst v1;
	v1 =	vmul.f32 v2, v1  }
.LBB2_4:
0x67: {  	p0 =	sne.s32 s23, $0x1840;
	v2 =	vld [tilespmem:s22+$0x0]  }
0x68: {  	[tilespmem:s21+$0x1380] =	vst v1;
	s21 =	smov.u32 s22  }
0x69: {  	v1 =	vld [tilespmem:s21+$0x1380]  }
.Ltmp1:
0x6a: {  	(pc) =	sbr.rel @p0 .LBB2_4-.Ltmp1, $4  }
0x6b: {  	_ = 	snop  }
0x6c: {  	v2 =	vadd.f32 v0, v2  }
0x6d: {  	s22 =	sshra.s32 s23, $0x2  }
0x6e: {  	s23 =	sadd.s32 $0x40, s23;
	v0 =	vld [tilespmem:s22+$0x680];
	[tilespmem:s21+$0x0] =	vst v2;
	v1 =	vmul.f32 v1, v2  }
0x6f: {  	v2 =	vld [tilespmem:s22+$0x0]  }
0x70: {  	[tilespmem:s21+$0x1380] =	vst v1  }
0x71: {  	v1 =	vld [tilespmem:s22+$0x1380];
	_ =	sdelay $0x2  }
0x72: {  	v0 =	vadd.f32 v0, v2;
	_ =	sdelay $0x1  }
0x73: {  	v1 =	vmul.f32 v1, v0  }
0x74: {  	[tilespmem:s22+$0x0] =	vst v0  }
0x75: {  	s23 =	rddreg [dreg:$0xd];
	s21 =	simm.s32 $0x0;
	[tilespmem:s22+$0x1380] =	vst v1  }
0x76: {  	[spmem:s23] =	stream.linear.scatter [tilespmem:s21], [sflag:$0x4], $0x620, $0x38;
	[tilespmem:$0x1EB00] =	vst v63  }
0x77: {  	_ =	swait.ge [sflag:s14], $0x620  }
0x78: {  	[sflag:s14] =	ssyncset.done $0x0  }
0x79: {  	s24 =	rddreg [dreg:$0xe];
	[sflag:s14] =	ssyncadd.s32 $0xFFFFF9E0  }
0x7a: {  	[spmem:s24] =	stream.linear.scatter [tilespmem:s13], [sflag:$0x4], $0x620, $0x38;
	[tilespmem:$0x1EB00] =	vst v63  }
0x7b: {  	_ =	swait.ge [sflag:s14], $0x620  }
0x7c: {  	[sflag:s14] =	ssyncset.done $0x0  }
0x7d: {  	s26 =	rddreg [dreg:$0xf];
	[sflag:s14] =	ssyncadd.s32 $0xFFFFF9E0  }
0x7e: {  	[tilespmem:s21], [sflag:$0x1] =	stream.linear.gather [hbm4b:s26+s21], $0x620, $0x38;
	[tilespmem:$0x1EB00] =	vst v63  }
0x7f: {  	_ = 	snop  }
0x80: {  	[tilespmem:s0], [sflag:$0x2] =	stream.linear.gather [hbm4b:s30+s21], $0x620, $0x38;
	[tilespmem:$0x1EB00] =	vst v63  }
0x81: {  	s28 =	rddreg [dreg:$0x10]  }
0x82: {  	[tilespmem:s6], [sflag:$0x3] =	stream.linear.gather [hbm4b:s28+s21], $0x620, $0x38;
	[tilespmem:$0x1EB00] =	vst v63  }
0x83: {  	_ =	swait.ge [sflag:s5], $0x620  }
0x84: {  	[sflag:s5] =	ssyncset.done $0x0  }
0x85: {  	[sflag:s5] =	ssyncadd.s32 $0xFFFFF9E0  }
0x86: {  	_ =	swait.ge [sflag:s10], $0x620  }
0x87: {  	[sflag:s10] =	ssyncset.done $0x0  }
0x88: {  	[sflag:s10] =	ssyncadd.s32 $0xFFFFF9E0  }
0x89: {  	_ =	swait.ge [sflag:s11], $0x620  }
0x8a: {  	[sflag:s11] =	ssyncset.done $0x0  }
0x8b: {  	[sflag:s11] =	ssyncadd.s32 $0xFFFFF9E0  }
0x8c: {  	[tilespmem:s13], [sflag:$0x1] =	stream.indirect.gather [hbm4b:s1+s12], $0x1, s6, s12, $0xb8;
	[tilespmem:$0x1EB00] =	vst v63  }
0x8d: {  	_ =	swait.ge [sflag:s5], $0x620  }
0x8e: {  	[sflag:s5] =	ssyncset.done $0x0  }
0x8f: {  	s21 =	simm.s32 $0x0;
	[sflag:s5] =	ssyncadd.s32 $0xFFFFF9E0  }
0x90: {  	v0 =	vld [tilespmem:s21+$0x680]  }
0x91: {  	v1 =	vld [tilespmem:s21+$0x0];
	_ =	sdelay $0x1  }
0x92: {  	v2 =	vld [tilespmem:s21+$0x1380];
	_ =	sdelay $0x2  }
0x93: {  	v1 =	vadd.f32 v0, v1  }
0x94: {  	s22 =	simm.s32 $0x10  }
0x95: {  	s23 =	simm.s32 $0x80;
	v0 =	vld [tilespmem:s22+$0x680];
	[tilespmem:s21+$0x0] =	vst v1;
	v1 =	vmul.f32 v2, v1  }
.LBB2_6:
0x96: {  	p0 =	sne.s32 s23, $0x1840;
	v2 =	vld [tilespmem:s22+$0x0]  }
0x97: {  	[tilespmem:s21+$0x1380] =	vst v1;
	s21 =	smov.u32 s22  }
0x98: {  	v1 =	vld [tilespmem:s21+$0x1380]  }
.Ltmp2:
0x99: {  	(pc) =	sbr.rel @p0 .LBB2_6-.Ltmp2, $4  }
0x9a: {  	_ = 	snop  }
0x9b: {  	v2 =	vadd.f32 v0, v2  }
0x9c: {  	s22 =	sshra.s32 s23, $0x2  }
0x9d: {  	s23 =	sadd.s32 $0x40, s23;
	v0 =	vld [tilespmem:s22+$0x680];
	[tilespmem:s21+$0x0] =	vst v2;
	v1 =	vmul.f32 v1, v2  }
0x9e: {  	v2 =	vld [tilespmem:s22+$0x0]  }
0x9f: {  	[tilespmem:s21+$0x1380] =	vst v1  }
0xa0: {  	v1 =	vld [tilespmem:s22+$0x1380];
	_ =	sdelay $0x2  }
0xa1: {  	v0 =	vadd.f32 v0, v2;
	_ =	sdelay $0x1  }
0xa2: {  	v1 =	vmul.f32 v1, v0  }
0xa3: {  	[tilespmem:s22+$0x0] =	vst v0  }
0xa4: {  	s23 =	rddreg [dreg:$0x13];
	s21 =	simm.s32 $0x0;
	[tilespmem:s22+$0x1380] =	vst v1  }
0xa5: {  	[spmem:s23] =	stream.linear.scatter [tilespmem:s21], [sflag:$0x4], $0x620, $0x38;
	[tilespmem:$0x1EB00] =	vst v63  }
0xa6: {  	_ =	swait.ge [sflag:s14], $0x620  }
0xa7: {  	[sflag:s14] =	ssyncset.done $0x0  }
0xa8: {  	s24 =	rddreg [dreg:$0x14];
	[sflag:s14] =	ssyncadd.s32 $0xFFFFF9E0  }
0xa9: {  	[spmem:s24] =	stream.linear.scatter [tilespmem:s13], [sflag:$0x4], $0x620, $0x38;
	[tilespmem:$0x1EB00] =	vst v63  }
0xaa: {  	_ =	swait.ge [sflag:s14], $0x620  }
0xab: {  	[sflag:s14] =	ssyncset.done $0x0  }
0xac: {  	s26 =	rddreg [dreg:$0x11];
	[sflag:s14] =	ssyncadd.s32 $0xFFFFF9E0  }
0xad: {  	[tilespmem:s21], [sflag:$0x1] =	stream.linear.gather [hbm4b:s26+s21], $0x620, $0x38;
	[tilespmem:$0x1EB00] =	vst v63  }
0xae: {  	_ = 	snop  }
0xaf: {  	[tilespmem:s0], [sflag:$0x2] =	stream.linear.gather [hbm4b:s31+s21], $0x620, $0x38;
	[tilespmem:$0x1EB00] =	vst v63  }
0xb0: {  	s28 =	rddreg [dreg:$0x12]  }
0xb1: {  	[tilespmem:s6], [sflag:$0x3] =	stream.linear.gather [hbm4b:s28+s21], $0x620, $0x38;
	[tilespmem:$0x1EB00] =	vst v63  }
0xb2: {  	_ =	swait.ge [sflag:s5], $0x620  }
0xb3: {  	[sflag:s5] =	ssyncset.done $0x0  }
0xb4: {  	[sflag:s5] =	ssyncadd.s32 $0xFFFFF9E0  }
0xb5: {  	_ =	swait.ge [sflag:s10], $0x620  }
0xb6: {  	[sflag:s10] =	ssyncset.done $0x0  }
0xb7: {  	[sflag:s10] =	ssyncadd.s32 $0xFFFFF9E0  }
0xb8: {  	_ =	swait.ge [sflag:s11], $0x620  }
0xb9: {  	[sflag:s11] =	ssyncset.done $0x0  }
0xba: {  	[sflag:s11] =	ssyncadd.s32 $0xFFFFF9E0  }
0xbb: {  	[tilespmem:s13], [sflag:$0x1] =	stream.indirect.gather [hbm4b:s1+s12], $0x1, s6, s12, $0xb8;
	[tilespmem:$0x1EB00] =	vst v63  }
0xbc: {  	_ =	swait.ge [sflag:s5], $0x620  }
0xbd: {  	[sflag:s5] =	ssyncset.done $0x0  }
0xbe: {  	s21 =	simm.s32 $0x0;
	[sflag:s5] =	ssyncadd.s32 $0xFFFFF9E0  }
0xbf: {  	v0 =	vld [tilespmem:s21+$0x680]  }
0xc0: {  	v1 =	vld [tilespmem:s21+$0x0];
	_ =	sdelay $0x1  }
0xc1: {  	v2 =	vld [tilespmem:s21+$0x1380];
	_ =	sdelay $0x2  }
0xc2: {  	v1 =	vadd.f32 v0, v1  }
0xc3: {  	s22 =	simm.s32 $0x10  }
0xc4: {  	s23 =	simm.s32 $0x80;
	v0 =	vld [tilespmem:s22+$0x680];
	[tilespmem:s21+$0x0] =	vst v1;
	v1 =	vmul.f32 v2, v1  }
.LBB2_8:
0xc5: {  	p0 =	sne.s32 s23, $0x1840;
	v2 =	vld [tilespmem:s22+$0x0]  }
0xc6: {  	[tilespmem:s21+$0x1380] =	vst v1;
	s21 =	smov.u32 s22  }
0xc7: {  	v1 =	vld [tilespmem:s21+$0x1380]  }
.Ltmp3:
0xc8: {  	(pc) =	sbr.rel @p0 .LBB2_8-.Ltmp3, $4  }
0xc9: {  	_ = 	snop  }
0xca: {  	v2 =	vadd.f32 v0, v2  }
0xcb: {  	s22 =	sshra.s32 s23, $0x2  }
0xcc: {  	s23 =	sadd.s32 $0x40, s23;
	v0 =	vld [tilespmem:s22+$0x680];
	[tilespmem:s21+$0x0] =	vst v2;
	v1 =	vmul.f32 v1, v2  }
0xcd: {  	v2 =	vld [tilespmem:s22+$0x0]  }
0xce: {  	[tilespmem:s21+$0x1380] =	vst v1  }
0xcf: {  	v1 =	vld [tilespmem:s22+$0x1380];
	_ =	sdelay $0x2  }
0xd0: {  	v0 =	vadd.f32 v0, v2;
	_ =	sdelay $0x1  }
0xd1: {  	v1 =	vmul.f32 v1, v0  }
0xd2: {  	[tilespmem:s22+$0x0] =	vst v0  }
0xd3: {  	s24 =	rddreg [dreg:$0x15];
	s21 =	simm.s32 $0x0;
	[tilespmem:s22+$0x1380] =	vst v1  }
0xd4: {  	[spmem:s24] =	stream.linear.scatter [tilespmem:s21], [sflag:$0x4], $0x620, $0x38;
	[tilespmem:$0x1EB00] =	vst v63  }
0xd5: {  	_ =	swait.ge [sflag:s14], $0x620  }
0xd6: {  	[sflag:s14] =	ssyncset.done $0x0  }
0xd7: {  	s26 =	rddreg [dreg:$0x16];
	[sflag:s14] =	ssyncadd.s32 $0xFFFFF9E0  }
0xd8: {  	[spmem:s26] =	stream.linear.scatter [tilespmem:s13], [sflag:$0x4], $0x620, $0x38;
	[tilespmem:$0x1EB00] =	vst v63  }
0xd9: {  	_ =	swait.ge [sflag:s14], $0x620  }
0xda: {  	[sflag:s14] =	ssyncset.done $0x0  }
0xdb: {  	[sflag:s14] =	ssyncadd.s32 $0xFFFFF9E0  }
0xdc: {  	[bflag:$0x0] =	sbarrier.arrive $0xFFFF  }
0xdd: {  	s28 =	rddreg [dreg:$0x5]  }
0xde: {  	[tilespmem:s15], [sflag:$0x4] =	stream.linear.gather [spmem:s28], $0x18800, $0x38;
	[tilespmem:$0x1EB00] =	vst v63  }
0xdf: {  	_ =	swait.ge [sflag:s14], $0x18800  }
0xe0: {  	[sflag:s14] =	ssyncset.done $0x0  }
0xe1: {  	[sflag:s14] =	ssyncadd.s32 $0xFFFE7800  }
.LBB2_10:
0xe2: {  	s22 =	smul.u32 $0x7D0, s21;
	_ =	sdelay $0x1  }
0xe3: {  	s22 =	sadd.s32 s25, s22  }
0xe4: {  	s22 =	sshrl.u32 s22, $0x3  }
0xe5: {  	s23 =	sadd.s32 s2, s22  }
0xe6: {  	[tilespmem:s16], [sflag:$0x4] =	stream.linear.gather [hbm4b:s23+s8], $0x7D0, $0x38;
	[tilespmem:$0x1EB00] =	vst v63  }
0xe7: {  	_ =	swait.ge [sflag:s14], $0x7D0  }
0xe8: {  	[sflag:s14] =	ssyncset.done $0x0  }
0xe9: {  	s28 =	simm.s32 $0x1A40;
	[sflag:s14] =	ssyncadd.s32 $0xFFFFF830  }
0xea: {  	[tilespmem:s18], [sflag:$0x1] =	stream.indirect.gather [spmem:s7], $0x1, s16, s17, $0xb8;
	[tilespmem:$0x1EB00] =	vst v63  }
0xeb: {  	v0 =	vld [tilespmem:s28+$0x30]  }
0xec: {  	v1 =	vld [tilespmem:s28+$0xFFFFFFD0]  }
0xed: {  	v2 =	vld [tilespmem:s28+$0xFFFFFFE0]  }
0xee: {  	v3 =	vld [tilespmem:s28+$0xFFFFFFF0]  }
0xef: {  	v5 =	vld [tilespmem:s28+$0x0]  }
0xf0: {  	v6 =	vld [tilespmem:s28+$0x10]  }
0xf1: {  	v7 =	vld [tilespmem:s28+$0x20]  }
0xf2: {  	v8 =	vld [tilespmem:s28+$0xFFFFFFC0]  }
0xf3: {  	v9 =	vld.idx.msk [tilespmem:v0+s15+$0x0], $0xffff  }
0xf4: {  	v10 =	vld.idx.msk [tilespmem:v1+s15+$0x0], $0xffff  }
0xf5: {  	v4 =	vld.idx.msk [tilespmem:v2+s15+$0x0], $0xffff  }
0xf6: {  	v3 =	vld.idx.msk [tilespmem:v3+s15+$0x0], $0xffff  }
0xf7: {  	v0 =	vld.idx.msk [tilespmem:v5+s15+$0x0], $0xffff  }
0xf8: {  	s23 =	simm.s32 $0x2240;
	v1 =	vld.idx.msk [tilespmem:v6+s15+$0x0], $0xffff  }
0xf9: {  	v2 =	vld.idx.msk [tilespmem:v7+s15+$0x0], $0xffff;
	[tilespmem:s23+$0x30] =	vst v9  }
0xfa: {  	s24 =	simm.s32 $0x0;
	s26 =	simm.s32 $0x1AC0;
	v5 =	vld.idx.msk [tilespmem:v8+s15+$0x0], $0xffff;
	[tilespmem:s23+$0xFFFFFFD0] =	vst v10  }
.LBB2_11:
0xfb: {  	v6 =	vld [tilespmem:s26+$0x30];
	s24 =	sadd.s32 $0x8, s24;
	[tilespmem:s23+$0xFFFFFFE0] =	vst v4  }
0xfc: {  	v4 =	vld [tilespmem:s26+$0xFFFFFFD0];
	p0 =	slt.u32 s24, $0x70;
	[tilespmem:s23+$0xFFFFFFF0] =	vst v3  }
0xfd: {  	v3 =	vld [tilespmem:s26+$0xFFFFFFE0];
	[tilespmem:s23+$0x0] =	vst v0  }
0xfe: {  	v0 =	vld [tilespmem:s26+$0xFFFFFFF0];
	[tilespmem:s23+$0x10] =	vst v1  }
0xff: {  	v1 =	vld [tilespmem:s26+$0x0];
	[tilespmem:s23+$0x20] =	vst v2  }
0x100: {  	v2 =	vld [tilespmem:s26+$0x10];
	[tilespmem:s23+$0xFFFFFFC0] =	vst v5  }
0x101: {  	v5 =	vld [tilespmem:s26+$0x20]  }
0x102: {  	v7 =	vld [tilespmem:s26+$0xFFFFFFC0]  }
0x103: {  	v6 =	vld.idx.msk [tilespmem:v6+s15+$0x0], $0xffff  }
0x104: {  	v8 =	vld.idx.msk [tilespmem:v4+s15+$0x0], $0xffff  }
0x105: {  	v4 =	vld.idx.msk [tilespmem:v3+s15+$0x0], $0xffff  }
.Ltmp4:
0x106: {  	v3 =	vld.idx.msk [tilespmem:v0+s15+$0x0], $0xffff;
	(pc) =	sbr.rel @p0 .LBB2_11-.Ltmp4, $4  }
0x107: {  	v0 =	vld.idx.msk [tilespmem:v1+s15+$0x0], $0xffff  }
0x108: {  	s23 =	sadd.s32 $0x80, s23;
	v1 =	vld.idx.msk [tilespmem:v2+s15+$0x0], $0xffff  }
0x109: {  	s28 =	simm.s32 $0x0;
	v2 =	vld.idx.msk [tilespmem:v5+s15+$0x0], $0xffff;
	[tilespmem:s23+$0x30] =	vst v6  }
0x10a: {  	s26 =	sadd.s32 $0x80, s26;
	v5 =	vld.idx.msk [tilespmem:v7+s15+$0x0], $0xffff;
	[tilespmem:s23+$0xFFFFFFD0] =	vst v8  }
0x10b: {  	[tilespmem:s23+$0xFFFFFFE0] =	vst v4  }
0x10c: {  	[tilespmem:s23+$0xFFFFFFF0] =	vst v3  }
0x10d: {  	[tilespmem:s23+$0x0] =	vst v0  }
0x10e: {  	[tilespmem:s23+$0x10] =	vst v1  }
0x10f: {  	[tilespmem:s23+$0x20] =	vst v2  }
0x110: {  	[tilespmem:s23+$0xFFFFFFC0] =	vst v5  }
.LBB2_13:
0x111: {  	s23 =	sshra.s32 s28, $0x2  }
0x112: {  	v0 =	vld [tilespmem:s23+$0x2180];
	_ =	sdelay $0x7  }
0x113: {  	p0 =	sne.s32 s28, $0x100;
	v0 =	vld.idx.msk [tilespmem:v0+s15+$0x0], $0xffff  }
.Ltmp5:
0x114: {  	_ = 	snop;
	(pc) =	sbr.rel @p0 .LBB2_13-.Ltmp5, $2  }
0x115: {  	_ =	sdelay $0x2  }
0x116: {  	s28 =	sadd.s32 $0x40, s28;
	[tilespmem:s23+$0x2980] =	vst v0  }
0x117: {  	_ =	swait.ge [sflag:s5], $0x7D0  }
0x118: {  	[sflag:s5] =	ssyncset.done $0x0  }
0x119: {  	s23 =	sadd.s32 s3, s22;
	[sflag:s5] =	ssyncadd.s32 $0xFFFFF830  }
0x11a: {  	[hbm4b:s23+s8] =	stream.linear.scatter [tilespmem:s19], [sflag:$0x2], $0x7D0, $0x38;
	[tilespmem:$0x1EB00] =	vst v63  }
0x11b: {  	s28 =	sadd.s32 s4, s22;
	s21 =	sadd.s32 $0x1, s21  }
0x11c: {  	[hbm4b:s28+s8] =	stream.linear.scatter [tilespmem:s18], [sflag:$0x3], $0x7D0, $0x38;
	[tilespmem:$0x1EB00] =	vst v63  }
0x11d: {  	p0 =	sne.s32 s21, $0x32;
	_ =	swait.ge [sflag:s10], $0x7D0  }
.Ltmp6:
0x11e: {  	[sflag:s10] =	ssyncset.done $0x0;
	(pc) =	sbr.rel @p0 .LBB2_10-.Ltmp6, $4  }
0x11f: {  	[sflag:s10] =	ssyncadd.s32 $0xFFFFF830  }
0x120: {  	_ =	swait.ge [sflag:s11], $0x7D0  }
0x121: {  	[sflag:s11] =	ssyncset.done $0x0  }
0x122: {  	[sflag:s11] =	ssyncadd.s32 $0xFFFFF830  }
0x123: {  	s20 =	sadd.s32 $0x1, s20;
	s21 =	rddreg [dreg:$0x17]  }
0x124: {  	p0 =	sne.s32 s20, s21  }
.Ltmp7:
0x125: {  	_ = 	snop;
	(pc) =	sbr.rel @p0 .LBB2_1-.Ltmp7, $1  }
0x126: {  	_ =	sdelay $0x3  }
0x127: {  	_ =	sfence.sel $0x180000  }
0x128: {  	[bflag:$0x0] =	sbarrier.arrive $0xFFFF  }
0x129: {  	_ =	strace $0x9000004A  }
0x12a: {  	s0 =	stileid.u32;
	[bflag:$0x2] =	sbarrier.arrive $0xFFFF  }
0x12b: {  	p0 =	sne.s32 s0, $0x0;
	s0 =	rddreg [dreg:$0x7]  }
0x12c: {  	s0 =	sadd.s32 @!p0 $0x100000, s0  }
0x12d: {  	[sflag:s0] =	ssyncadd.tile.s32 @!p0 $0x1;
	_ =	shalt  }
.Lfunc_end2:
_tile_overlayer_lowered:
.L_overlay_start_2:
0x12e: {  	(tag) =	ssettag $0x2  }
0x12f: {  	s0 =	rddreg [dreg:$0x0];
	s2 =	stileid.u32  }
0x130: {  	s1 =	rddreg [dreg:$0x1];
	p0 =	sne.s32 s2, $0x0  }
0x131: {  	s3 =	rddreg [dreg:$0x2];
	[bflag:$0x3] =	sbarrier.arrive $0xFFFF;
	s2 =	simm.s32 @!p0 $0x1C04  }
0x132: {  	[timem:s3], [sflag:s2] =	dma.local @!p0 [hbm:s0], s1  }
0x133: {  	s0 =	simm.s32 @!p0 $0x4  }
0x134: {  	_ =	swait.ge @!p0 [sflag:s0], s1  }
0x135: {  	s1 =	ssub.s32 @!p0 $0x0, s1;
	[sflag:s0] =	ssyncset.done @!p0 $0x0  }
0x136: {  	[sflag:s0] =	ssyncadd.s32 @!p0 s1  }
0x137: {  	[bflag:$0x3] =	sbarrier.arrive $0xFFFF  }
0x138: {  	_ =	shalt  }

</sc_bundles>
